<compile_context>
chip_gen: v7x
topology: tpu7x:2x2x1
jax: 0.10.2.dev20260603
libtpu: 0.0.44.dev20260713+nightly
codegen_flags: <defaults>
</compile_context>

<pallas_src>
import dataclasses
import functools

import jax
import jax.numpy as jnp
from jax.experimental import pallas as pl
from jax.experimental.pallas import tpu as pltpu
from jax.experimental.pallas import tpu_sc as plsc

_WINDOW = 128
_WORKERS = 32
_BE = 3200
_K = 2


def _sc_compiler_params():
    cp = pltpu.CompilerParams(use_tc_tiling_on_sc=False)
    if "needs_layout_passes" in pltpu.CompilerParams.__dataclass_fields__:
        cp = dataclasses.replace(cp, needs_layout_passes=False)
    return cp


def _sc_gather(table, eidx, npad, dim):
    mesh = plsc.VectorSubcoreMesh(core_axis_name="core", subcore_axis_name="subcore")
    half = _WINDOW // 2
    nw = npad // _WINDOW // _WORKERS
    assert npad % (_WINDOW * _WORKERS) == 0 and nw % 4 == 0

    @functools.partial(
        pl.kernel,
        out_type=jax.ShapeDtypeStruct((npad, dim), table.dtype),
        mesh=mesh,
        scratch_types=[
            pltpu.VMEM((2, nw * half), jnp.int32),
            pltpu.VMEM((nw * _WINDOW,), jnp.int32),
            pltpu.VMEM((4, _WINDOW, dim), table.dtype),
            pltpu.SemaphoreType.DMA((4,)),
            pltpu.SemaphoreType.DMA((4,)),
        ],
        compiler_params=_sc_compiler_params(),
    )
    def gather_kernel(x_hbm, i_hbm, o_hbm, idx_ref, v_ref, rows_ref, sg, so):
        cid = jax.lax.axis_index("core")
        sid = jax.lax.axis_index("subcore")
        wid = sid * 2 + cid
        base = wid * nw

        pltpu.sync_copy(i_hbm.at[:, pl.ds(base * half, nw * half)], idx_ref)

        @pl.loop(0, nw)
        def _interleave(w):
            for c in range(half // 16):
                pos = w * _WINDOW + c * 32 + jax.lax.iota(jnp.int32, 16) * 2
                plsc.store_scatter(
                    v_ref, [pos], idx_ref.at[0][pl.ds(w * half + c * 16, 16)])
                plsc.store_scatter(
                    v_ref, [pos + 1], idx_ref.at[1][pl.ds(w * half + c * 16, 16)])

        def g_copy(k, b):
            return pltpu.make_async_copy(
                x_hbm.at[v_ref.at[pl.ds(k * _WINDOW, _WINDOW)]],
                rows_ref.at[b], sg.at[b])

        def o_copy(k, b):
            return pltpu.make_async_copy(
                rows_ref.at[b],
                o_hbm.at[pl.ds((base + k) * _WINDOW, _WINDOW)], so.at[b])

        for j in range(3):
            g_copy(j, j).start()

        @pl.loop(0, nw, step=4)
        def _main(g):
            for jj in range(4):
                k = g + jj
                b = jj
                nb = (jj + 3) % 4
                g_copy(k, b).wait()
                o_copy(k, b).start()

                @pl.when(k >= 1)
                def _():
                    o_copy(k - 1, nb).wait()

                @pl.when(k + 3 < nw)
                def _():
                    g_copy(k + 3, nb).start()

        o_copy(nw - 1, (nw - 1) % 4).wait()

    return gather_kernel(table, eidx)


def _mlp_math(g, eft, dt, w1ab, w1c, w1d, w2, b1, b2, gamma, beta):
    x1 = (
        jax.lax.dot_general(w1ab, g, (((1,), (1,)), ((), ())),
                            preferred_element_type=jnp.float32)
        + jnp.dot(w1c, eft, preferred_element_type=jnp.float32)
        + jnp.dot(w1d, dt, preferred_element_type=jnp.float32)
        + b1
    )
    h = x1 * jax.nn.sigmoid(x1)
    x2 = jnp.dot(w2, h, preferred_element_type=jnp.float32) + b2
    x = eft + x2 * jax.nn.sigmoid(x2)
    mu = jnp.mean(x, axis=0, keepdims=True)
    xc = x - mu
    var = jnp.mean(xc * xc, axis=0, keepdims=True)
    y = xc * jax.lax.rsqrt(var + 1e-5)
    return y * gamma + beta


def _mlp_body(g_ref, eft_ref, dt_ref, w1ab_ref, w1c_ref, w1d_ref, w2_ref,
              b1_ref, b2_ref, gamma_ref, beta_ref, out_ref):
    out_ref[...] = _mlp_math(
        g_ref[...], eft_ref[...], dt_ref[...], w1ab_ref[...], w1c_ref[...],
        w1d_ref[...], w2_ref[...], b1_ref[...], b2_ref[...],
        gamma_ref[...], beta_ref[...])


def _mlp_body_carry(carry_ref, g_ref, eft_ref, dt_ref, w1ab_ref, w1c_ref,
                    w1d_ref, w2_ref, b1_ref, b2_ref, gamma_ref, beta_ref,
                    out_ref):
    del carry_ref
    out_ref[...] = _mlp_math(
        g_ref[...], eft_ref[...], dt_ref[...], w1ab_ref[...], w1c_ref[...],
        w1d_ref[...], w2_ref[...], b1_ref[...], b2_ref[...],
        gamma_ref[...], beta_ref[...])


def kernel(node_scalars, edge_feats, d, edge_index, W1, b1, W2, b2, gamma, beta):
    n_nodes, dim = node_scalars.shape
    e, f = edge_feats.shape
    r = d.shape[1]

    eft = edge_feats.T
    dt = d.T
    w1t = W1.T
    w1ab = w1t[:, 0 : 2 * dim]
    w1c = w1t[:, 2 * dim : 2 * dim + f]
    w1d = w1t[:, 2 * dim + f :]
    b1c = b1.reshape(f, 1)
    b2c = b2.reshape(f, 1)
    gac = gamma.reshape(f, 1)
    bec = beta.reshape(f, 1)

    eks = [e // _K] * _K
    unit = _WINDOW * _WORKERS * 4

    gs, npads = [], []
    off = 0
    for k in range(_K):
        ek = eks[k]
        npadk = ((2 * ek + unit - 1) // unit) * unit
        eidx = edge_index[:, off : off + ek]
        eidx = jnp.pad(eidx, ((0, 0), (0, npadk // 2 - ek)))
        gs.append(_sc_gather(node_scalars, eidx, npadk, dim))
        npads.append(npadk)
        off += ek

    out = None
    boff = 0
    for k in range(_K):
        nbk = eks[k] // _BE
        g128 = gs[k].reshape(npads[k] // 2, 2 * dim)
        base_specs = [
            pl.BlockSpec((_BE, 2 * dim), lambda i: (i, 0)),
            pl.BlockSpec((f, _BE), lambda i, boff=boff: (0, i + boff)),
            pl.BlockSpec((r, _BE), lambda i, boff=boff: (0, i + boff)),
            pl.BlockSpec((f, 2 * dim), lambda i: (0, 0)),
            pl.BlockSpec((f, f), lambda i: (0, 0)),
            pl.BlockSpec((f, r), lambda i: (0, 0)),
            pl.BlockSpec((f, f), lambda i: (0, 0)),
            pl.BlockSpec((f, 1), lambda i: (0, 0)),
            pl.BlockSpec((f, 1), lambda i: (0, 0)),
            pl.BlockSpec((f, 1), lambda i: (0, 0)),
            pl.BlockSpec((f, 1), lambda i: (0, 0)),
        ]
        out_spec = pl.BlockSpec((f, _BE), lambda i, boff=boff: (0, i + boff))
        args = (g128, eft, dt, w1ab, w1c, w1d, W2.T, b1c, b2c, gac, bec)
        if k == 0:
            out = pl.pallas_call(
                _mlp_body,
                grid=(nbk,),
                in_specs=base_specs,
                out_specs=out_spec,
                out_shape=jax.ShapeDtypeStruct((f, e), jnp.float32),
                compiler_params=pltpu.CompilerParams(
                    dimension_semantics=("arbitrary",)),
            )(*args)
        else:
            carry_spec = pl.BlockSpec((f, _BE), lambda i: (0, 0))
            out = pl.pallas_call(
                _mlp_body_carry,
                grid=(nbk,),
                in_specs=[carry_spec] + base_specs,
                out_specs=out_spec,
                out_shape=jax.ShapeDtypeStruct((f, e), jnp.float32),
                input_output_aliases={0: 0},
                compiler_params=pltpu.CompilerParams(
                    dimension_semantics=("arbitrary",)),
            )(out, *args)
        boff += nbk
    return out.T

# --- scband reference (transcript-rebuilt; emitter-appended) ---
"""Pipeline reference for scband-endpoint-vector-field-14869176779181 (READ-ONLY COPY).

The authoritative reference and input builder live on the scoring server;
editing this copy changes nothing except your own understanding.
"""

import jax, jax.numpy as jnp
import numpy as np

N = 50000
E = 800000
D = 64   # n_node_scalars
F = 64   # n_edge_feats
R = 16   # rbf_dim


def setup_inputs(seed: int = 0) -> dict:
    key = jax.random.key(seed)
    ks = jax.random.split(key, 8)
    node_scalars = jax.random.normal(ks[0], (N, D), dtype=jnp.float32)
    edge_feats = jax.random.normal(ks[1], (E, F), dtype=jnp.float32)
    d = jax.random.uniform(ks[2], (E, R), dtype=jnp.float32)
    edge_index = jax.random.randint(ks[3], (2, E), 0, N, dtype=jnp.int32)
    in_dim = 2 * D + F + R  # 208
    W1 = jax.random.normal(ks[4], (in_dim, F), dtype=jnp.float32) / np.sqrt(in_dim)
    b1 = jnp.zeros((F,), dtype=jnp.float32)
    W2 = jax.random.normal(ks[5], (F, F), dtype=jnp.float32) / np.sqrt(F)
    b2 = jnp.zeros((F,), dtype=jnp.float32)
    gamma = jnp.ones((F,), dtype=jnp.float32)
    beta = jnp.zeros((F,), dtype=jnp.float32)
    return {
        "node_scalars": node_scalars,
        "edge_feats": edge_feats,
        "d": d,
        "edge_index": edge_index,
        "W1": W1, "b1": b1, "W2": W2, "b2": b2,
        "gamma": gamma, "beta": beta,
    }


def reference(node_scalars, edge_feats, d, edge_index, W1, b1, W2, b2, gamma, beta):
    # EdgeUpdate.forward: gather src/dst node scalars along edges, concat with
    # edge feats (+ RBF-expanded distance), 2-layer SiLU MLP, residual, LayerNorm.
    src = edge_index[0]
    dst = edge_index[1]
    h_src = jnp.take(node_scalars, src, axis=0)   # [E, D] gather
    h_dst = jnp.take(node_scalars, dst, axis=0)   # [E, D] gather
    mlp_in = jnp.concatenate([h_src, h_dst, edge_feats, d], axis=-1)  # [E, 208]
    h = jax.nn.silu(mlp_in @ W1 + b1)
    h = jax.nn.silu(h @ W2 + b2)
    x = edge_feats + h
    mu = jnp.mean(x, axis=-1, keepdims=True)
    var = jnp.var(x, axis=-1, keepdims=True)
    y = (x - mu) / jnp.sqrt(var + 1e-5)
    return y * gamma + beta

if __name__ == "__main__":
    import jax
    _d = setup_inputs()
    print(jax.jit(kernel)(*tuple(_d.values())))

</pallas_src>

<mosaic_0001>
#map = affine_map<(d0, d1) -> (0, 0)>
module attributes {stable_mosaic.version = 14 : i64} {
  func.func @gather_kernel(%arg0: i32, %arg1: i32, %arg2: memref<50000x64xf32, #tpu.memory_space<hbm>>, %arg3: memref<2x401408xi32, #tpu.memory_space<hbm>>, %arg4: memref<802816x64xf32, #tpu.memory_space<hbm>>, %arg5: memref<2x12544xi32, #tpu.memory_space<vmem>>, %arg6: memref<25088xi32, #tpu.memory_space<vmem>>, %arg7: memref<4x128x64xf32, #tpu.memory_space<vmem>>, %arg8: memref<4x!tpu.dma_semaphore, #tpu.memory_space<semaphore_mem>>, %arg9: memref<4x!tpu.dma_semaphore, #tpu.memory_space<semaphore_mem>>) attributes {dimension_semantics = [#tpu.dimension_semantics<core_parallel>, #tpu.dimension_semantics<subcore_parallel>], iteration_bounds = array<i64: 2, 16>, scalar_prefetch = 0 : i64, scratch_operands = 5 : i64, tpu.core_type = #tpu.core_type<sc_vector_subcore>, window_params = [{transform_indices = #map}, {transform_indices = #map}, {transform_indices = #map}]} {
    %mul3A = arith.constant 2 : i32
    %mul3A_0 = arith.muli %arg1, %mul3A : i32
    %add3A = arith.addi %mul3A_0, %arg0 : i32
    %mul3A_1 = arith.constant 196 : i32
    %mul3A_2 = arith.muli %add3A, %mul3A_1 : i32
    %mul3A_3 = arith.constant 64 : i32
    %mul3A_4 = arith.muli %mul3A_2, %mul3A_3 : i32
    "tpu.region"() ({
      %run_scoped3A = tpu.sem_alloc : memref<!tpu.dma_semaphore, #tpu.memory_space<semaphore_mem>>
      %dma_start3A_71 = arith.constant 0 : i32
      %dma_start3A_72 = tpu.memref_slice %arg3[%dma_start3A_71, %mul3A_4] : memref<2x401408xi32, #tpu.memory_space<hbm>> -> memref<2x12544xi32, #tpu.memory_space<hbm>>
      %dma_start3A_73 = arith.constant 0 : i32
      %dma_start3A_74 = tpu.memref_slice %arg3[%dma_start3A_73, %mul3A_4] : memref<2x401408xi32, #tpu.memory_space<hbm>> -> memref<2x12544xi32, #tpu.memory_space<hbm>>
      tpu.enqueue_dma source(%dma_start3A_74 : memref<2x12544xi32, #tpu.memory_space<hbm>>) target(%arg5 : memref<2x12544xi32, #tpu.memory_space<vmem>>) target_semaphore(%run_scoped3A : memref<!tpu.dma_semaphore, #tpu.memory_space<semaphore_mem>>)
      %dma_wait3A_75 = arith.constant 0 : i32
      %dma_wait3A_76 = tpu.memref_slice %arg3[%dma_wait3A_75, %mul3A_4] : memref<2x401408xi32, #tpu.memory_space<hbm>> -> memref<2x12544xi32, #tpu.memory_space<hbm>>
      %dma_wait3A_77 = arith.constant 0 : i32
      %dma_wait3A_78 = tpu.memref_slice %arg3[%dma_wait3A_77, %mul3A_4] : memref<2x401408xi32, #tpu.memory_space<hbm>> -> memref<2x12544xi32, #tpu.memory_space<hbm>>
      tpu.wait_dma2 semaphore(%run_scoped3A : memref<!tpu.dma_semaphore, #tpu.memory_space<semaphore_mem>>) src(%dma_wait3A_78 : memref<2x12544xi32, #tpu.memory_space<hbm>>) dst(%arg5 : memref<2x12544xi32, #tpu.memory_space<vmem>>)
      tpu.yield
    }) : () -> ()
    %scan3A = arith.constant 0 : i32
    %scan3A_5 = arith.constant 196 : i32
    %scan3A_6 = arith.addi %scan3A, %scan3A_5 : i32
    %scan3A_7 = arith.constant 1 : i32
    scf.for %scan3A_71 = %scan3A to %scan3A_6 step %scan3A_7  : i32 {
      %mul3A_72 = arith.constant 1 : i32
      %mul3A_73 = arith.muli %scan3A_71, %mul3A_72 : i32
      %add3A_74 = arith.constant 0 : i32
      %add3A_75 = arith.addi %add3A_74, %mul3A_73 : i32
      %mul3A_76 = arith.constant 128 : i32
      %mul3A_77 = arith.muli %add3A_75, %mul3A_76 : i32
      %add3A_78 = arith.constant 0 : i32
      %add3A_79 = arith.addi %mul3A_77, %add3A_78 : i32
      %iota3A = tpu.iota {dimensions = array<i32: 0>} : vector<16xi32>
      %mul3A_80 = arith.constant 2 : i32
      %mul3A_81 = vector.broadcast %mul3A_80 : i32 to vector<16xi32>
      %mul3A_82 = arith.muli %iota3A, %mul3A_81 : vector<16xi32>
      %add3A_83 = vector.broadcast %add3A_79 : i32 to vector<16xi32>
      %add3A_84 = arith.addi %add3A_83, %mul3A_82 : vector<16xi32>
      %mul3A_85 = arith.constant 64 : i32
      %mul3A_86 = arith.muli %add3A_75, %mul3A_85 : i32
      %add3A_87 = arith.constant 0 : i32
      %add3A_88 = arith.addi %mul3A_86, %add3A_87 : i32
      %get3A = arith.constant 0 : i32
      %get3A_89 = arith.constant 0 : i32
      %get3A_90 = tpu.memref_slice %arg5[%get3A, %get3A_89] : memref<2x12544xi32, #tpu.memory_space<vmem>> -> memref<1x12544xi32, #tpu.memory_space<vmem>>
      %get3A_91 = tpu.memref_squeeze %get3A_90 : memref<1x12544xi32, #tpu.memory_space<vmem>> -> memref<12544xi32, #tpu.memory_space<vmem>>
      %get3A_92 = arith.index_cast %add3A_88 : i32 to index
      %get3A_93 = tpu.vector_load %get3A_91[%get3A_92] {strides = array<i32>} : memref<12544xi32, #tpu.memory_space<vmem>>, vector<16xi32>,
      tpu.vector_store_idx %arg6[%add3A_84], %get3A_93 : memref<25088xi32, #tpu.memory_space<vmem>>[vector<16xi32>], vector<16xi32>,
      %add3A_94 = arith.constant 1 : i32
      %add3A_95 = vector.broadcast %add3A_94 : i32 to vector<16xi32>
      %add3A_96 = arith.addi %add3A_84, %add3A_95 : vector<16xi32>
      %mul3A_97 = arith.constant 64 : i32
      %mul3A_98 = arith.muli %add3A_75, %mul3A_97 : i32
      %add3A_99 = arith.constant 0 : i32
      %add3A_100 = arith.addi %mul3A_98, %add3A_99 : i32
      %get3A_101 = arith.constant 1 : i32
      %get3A_102 = arith.constant 0 : i32
      %get3A_103 = tpu.memref_slice %arg5[%get3A_101, %get3A_102] : memref<2x12544xi32, #tpu.memory_space<vmem>> -> memref<1x12544xi32, #tpu.memory_space<vmem>>
      %get3A_104 = tpu.memref_squeeze %get3A_103 : memref<1x12544xi32, #tpu.memory_space<vmem>> -> memref<12544xi32, #tpu.memory_space<vmem>>
      %get3A_105 = arith.index_cast %add3A_100 : i32 to index
      %get3A_106 = tpu.vector_load %get3A_104[%get3A_105] {strides = array<i32>} : memref<12544xi32, #tpu.memory_space<vmem>>, vector<16xi32>,
      tpu.vector_store_idx %arg6[%add3A_96], %get3A_106 : memref<25088xi32, #tpu.memory_space<vmem>>[vector<16xi32>], vector<16xi32>,
      %mul3A_107 = arith.constant 128 : i32
      %mul3A_108 = arith.muli %add3A_75, %mul3A_107 : i32
      %add3A_109 = arith.constant 32 : i32
      %add3A_110 = arith.addi %mul3A_108, %add3A_109 : i32
      %iota3A_111 = tpu.iota {dimensions = array<i32: 0>} : vector<16xi32>
      %mul3A_112 = arith.constant 2 : i32
      %mul3A_113 = vector.broadcast %mul3A_112 : i32 to vector<16xi32>
      %mul3A_114 = arith.muli %iota3A_111, %mul3A_113 : vector<16xi32>
      %add3A_115 = vector.broadcast %add3A_110 : i32 to vector<16xi32>
      %add3A_116 = arith.addi %add3A_115, %mul3A_114 : vector<16xi32>
      %mul3A_117 = arith.constant 64 : i32
      %mul3A_118 = arith.muli %add3A_75, %mul3A_117 : i32
      %add3A_119 = arith.constant 16 : i32
      %add3A_120 = arith.addi %mul3A_118, %add3A_119 : i32
      %get3A_121 = arith.constant 0 : i32
      %get3A_122 = arith.constant 0 : i32
      %get3A_123 = tpu.memref_slice %arg5[%get3A_121, %get3A_122] : memref<2x12544xi32, #tpu.memory_space<vmem>> -> memref<1x12544xi32, #tpu.memory_space<vmem>>
      %get3A_124 = tpu.memref_squeeze %get3A_123 : memref<1x12544xi32, #tpu.memory_space<vmem>> -> memref<12544xi32, #tpu.memory_space<vmem>>
      %get3A_125 = arith.index_cast %add3A_120 : i32 to index
      %get3A_126 = tpu.vector_load %get3A_124[%get3A_125] {strides = array<i32>} : memref<12544xi32, #tpu.memory_space<vmem>>, vector<16xi32>,
      tpu.vector_store_idx %arg6[%add3A_116], %get3A_126 : memref<25088xi32, #tpu.memory_space<vmem>>[vector<16xi32>], vector<16xi32>,
      %add3A_127 = arith.constant 1 : i32
      %add3A_128 = vector.broadcast %add3A_127 : i32 to vector<16xi32>
      %add3A_129 = arith.addi %add3A_116, %add3A_128 : vector<16xi32>
      %mul3A_130 = arith.constant 64 : i32
      %mul3A_131 = arith.muli %add3A_75, %mul3A_130 : i32
      %add3A_132 = arith.constant 16 : i32
      %add3A_133 = arith.addi %mul3A_131, %add3A_132 : i32
      %get3A_134 = arith.constant 1 : i32
      %get3A_135 = arith.constant 0 : i32
      %get3A_136 = tpu.memref_slice %arg5[%get3A_134, %get3A_135] : memref<2x12544xi32, #tpu.memory_space<vmem>> -> memref<1x12544xi32, #tpu.memory_space<vmem>>
      %get3A_137 = tpu.memref_squeeze %get3A_136 : memref<1x12544xi32, #tpu.memory_space<vmem>> -> memref<12544xi32, #tpu.memory_space<vmem>>
      %get3A_138 = arith.index_cast %add3A_133 : i32 to index
      %get3A_139 = tpu.vector_load %get3A_137[%get3A_138] {strides = array<i32>} : memref<12544xi32, #tpu.memory_space<vmem>>, vector<16xi32>,
      tpu.vector_store_idx %arg6[%add3A_129], %get3A_139 : memref<25088xi32, #tpu.memory_space<vmem>>[vector<16xi32>], vector<16xi32>,
      %mul3A_140 = arith.constant 128 : i32
      %mul3A_141 = arith.muli %add3A_75, %mul3A_140 : i32
      %add3A_142 = arith.constant 64 : i32
      %add3A_143 = arith.addi %mul3A_141, %add3A_142 : i32
      %iota3A_144 = tpu.iota {dimensions = array<i32: 0>} : vector<16xi32>
      %mul3A_145 = arith.constant 2 : i32
      %mul3A_146 = vector.broadcast %mul3A_145 : i32 to vector<16xi32>
      %mul3A_147 = arith.muli %iota3A_144, %mul3A_146 : vector<16xi32>
      %add3A_148 = vector.broadcast %add3A_143 : i32 to vector<16xi32>
      %add3A_149 = arith.addi %add3A_148, %mul3A_147 : vector<16xi32>
      %mul3A_150 = arith.constant 64 : i32
      %mul3A_151 = arith.muli %add3A_75, %mul3A_150 : i32
      %add3A_152 = arith.constant 32 : i32
      %add3A_153 = arith.addi %mul3A_151, %add3A_152 : i32
      %get3A_154 = arith.constant 0 : i32
      %get3A_155 = arith.constant 0 : i32
      %get3A_156 = tpu.memref_slice %arg5[%get3A_154, %get3A_155] : memref<2x12544xi32, #tpu.memory_space<vmem>> -> memref<1x12544xi32, #tpu.memory_space<vmem>>
      %get3A_157 = tpu.memref_squeeze %get3A_156 : memref<1x12544xi32, #tpu.memory_space<vmem>> -> memref<12544xi32, #tpu.memory_space<vmem>>
      %get3A_158 = arith.index_cast %add3A_153 : i32 to index
      %get3A_159 = tpu.vector_load %get3A_157[%get3A_158] {strides = array<i32>} : memref<12544xi32, #tpu.memory_space<vmem>>, vector<16xi32>,
      tpu.vector_store_idx %arg6[%add3A_149], %get3A_159 : memref<25088xi32, #tpu.memory_space<vmem>>[vector<16xi32>], vector<16xi32>,
      %add3A_160 = arith.constant 1 : i32
      %add3A_161 = vector.broadcast %add3A_160 : i32 to vector<16xi32>
      %add3A_162 = arith.addi %add3A_149, %add3A_161 : vector<16xi32>
      %mul3A_163 = arith.constant 64 : i32
      %mul3A_164 = arith.muli %add3A_75, %mul3A_163 : i32
      %add3A_165 = arith.constant 32 : i32
      %add3A_166 = arith.addi %mul3A_164, %add3A_165 : i32
      %get3A_167 = arith.constant 1 : i32
      %get3A_168 = arith.constant 0 : i32
      %get3A_169 = tpu.memref_slice %arg5[%get3A_167, %get3A_168] : memref<2x12544xi32, #tpu.memory_space<vmem>> -> memref<1x12544xi32, #tpu.memory_space<vmem>>
      %get3A_170 = tpu.memref_squeeze %get3A_169 : memref<1x12544xi32, #tpu.memory_space<vmem>> -> memref<12544xi32, #tpu.memory_space<vmem>>
      %get3A_171 = arith.index_cast %add3A_166 : i32 to index
      %get3A_172 = tpu.vector_load %get3A_170[%get3A_171] {strides = array<i32>} : memref<12544xi32, #tpu.memory_space<vmem>>, vector<16xi32>,
      tpu.vector_store_idx %arg6[%add3A_162], %get3A_172 : memref<25088xi32, #tpu.memory_space<vmem>>[vector<16xi32>], vector<16xi32>,
      %mul3A_173 = arith.constant 128 : i32
      %mul3A_174 = arith.muli %add3A_75, %mul3A_173 : i32
      %add3A_175 = arith.constant 96 : i32
      %add3A_176 = arith.addi %mul3A_174, %add3A_175 : i32
      %iota3A_177 = tpu.iota {dimensions = array<i32: 0>} : vector<16xi32>
      %mul3A_178 = arith.constant 2 : i32
      %mul3A_179 = vector.broadcast %mul3A_178 : i32 to vector<16xi32>
      %mul3A_180 = arith.muli %iota3A_177, %mul3A_179 : vector<16xi32>
      %add3A_181 = vector.broadcast %add3A_176 : i32 to vector<16xi32>
      %add3A_182 = arith.addi %add3A_181, %mul3A_180 : vector<16xi32>
      %mul3A_183 = arith.constant 64 : i32
      %mul3A_184 = arith.muli %add3A_75, %mul3A_183 : i32
      %add3A_185 = arith.constant 48 : i32
      %add3A_186 = arith.addi %mul3A_184, %add3A_185 : i32
      %get3A_187 = arith.constant 0 : i32
      %get3A_188 = arith.constant 0 : i32
      %get3A_189 = tpu.memref_slice %arg5[%get3A_187, %get3A_188] : memref<2x12544xi32, #tpu.memory_space<vmem>> -> memref<1x12544xi32, #tpu.memory_space<vmem>>
      %get3A_190 = tpu.memref_squeeze %get3A_189 : memref<1x12544xi32, #tpu.memory_space<vmem>> -> memref<12544xi32, #tpu.memory_space<vmem>>
      %get3A_191 = arith.index_cast %add3A_186 : i32 to index
      %get3A_192 = tpu.vector_load %get3A_190[%get3A_191] {strides = array<i32>} : memref<12544xi32, #tpu.memory_space<vmem>>, vector<16xi32>,
      tpu.vector_store_idx %arg6[%add3A_182], %get3A_192 : memref<25088xi32, #tpu.memory_space<vmem>>[vector<16xi32>], vector<16xi32>,
      %add3A_193 = arith.constant 1 : i32
      %add3A_194 = vector.broadcast %add3A_193 : i32 to vector<16xi32>
      %add3A_195 = arith.addi %add3A_182, %add3A_194 : vector<16xi32>
      %mul3A_196 = arith.constant 64 : i32
      %mul3A_197 = arith.muli %add3A_75, %mul3A_196 : i32
      %add3A_198 = arith.constant 48 : i32
      %add3A_199 = arith.addi %mul3A_197, %add3A_198 : i32
      %get3A_200 = arith.constant 1 : i32
      %get3A_201 = arith.constant 0 : i32
      %get3A_202 = tpu.memref_slice %arg5[%get3A_200, %get3A_201] : memref<2x12544xi32, #tpu.memory_space<vmem>> -> memref<1x12544xi32, #tpu.memory_space<vmem>>
      %get3A_203 = tpu.memref_squeeze %get3A_202 : memref<1x12544xi32, #tpu.memory_space<vmem>> -> memref<12544xi32, #tpu.memory_space<vmem>>
      %get3A_204 = arith.index_cast %add3A_199 : i32 to index
      %get3A_205 = tpu.vector_load %get3A_203[%get3A_204] {strides = array<i32>} : memref<12544xi32, #tpu.memory_space<vmem>>, vector<16xi32>,
      tpu.vector_store_idx %arg6[%add3A_195], %get3A_205 : memref<25088xi32, #tpu.memory_space<vmem>>[vector<16xi32>], vector<16xi32>,
    }
    %scan3A_8 = arith.constant 196 : i32
    %dma_start3A = arith.constant 0 : i32
    %dma_start3A_9 = arith.constant 0 : i32
    %dma_start3A_10 = arith.constant 0 : i32
    %dma_start3A_11 = arith.constant 0 : i32
    %dma_start3A_12 = tpu.memref_slice %arg7[%dma_start3A, %dma_start3A_10, %dma_start3A_11] : memref<4x128x64xf32, #tpu.memory_space<vmem>> -> memref<1x128x64xf32, #tpu.memory_space<vmem>>
    %dma_start3A_13 = tpu.memref_squeeze %dma_start3A_12 : memref<1x128x64xf32, #tpu.memory_space<vmem>> -> memref<128x64xf32, #tpu.memory_space<vmem>>
    %dma_start3A_14 = arith.constant 0 : i32
    %dma_start3A_15 = tpu.memref_slice %arg6[%dma_start3A_14] : memref<25088xi32, #tpu.memory_space<vmem>> -> memref<128xi32, #tpu.memory_space<vmem>>
    %dma_start3A_16 = arith.constant 0 : i32
    %dma_start3A_17 = arith.constant 0 : i32
    %dma_start3A_18 = tpu.memref_slice %arg2[%dma_start3A_16, %dma_start3A_17] : memref<50000x64xf32, #tpu.memory_space<hbm>> -> memref<50000x64xf32, #tpu.memory_space<hbm>>
    %dma_start3A_19 = tpu.memref_slice %arg8[%dma_start3A_9] : memref<4x!tpu.dma_semaphore, #tpu.memory_space<semaphore_mem>> -> memref<1x!tpu.dma_semaphore, #tpu.memory_space<semaphore_mem>>
    %dma_start3A_20 = tpu.memref_squeeze %dma_start3A_19 : memref<1x!tpu.dma_semaphore, #tpu.memory_space<semaphore_mem>> -> memref<!tpu.dma_semaphore, #tpu.memory_space<semaphore_mem>>
    tpu.enqueue_indirect_dma source(%dma_start3A_18 : memref<50000x64xf32, #tpu.memory_space<hbm>>) target(%dma_start3A_13 : memref<128x64xf32, #tpu.memory_space<vmem>>) offsets(%dma_start3A_15 : memref<128xi32, #tpu.memory_space<vmem>>) semaphore(%dma_start3A_20 : memref<!tpu.dma_semaphore, #tpu.memory_space<semaphore_mem>>)
    %dma_start3A_21 = arith.constant 1 : i32
    %dma_start3A_22 = arith.constant 1 : i32
    %dma_start3A_23 = arith.constant 0 : i32
    %dma_start3A_24 = arith.constant 0 : i32
    %dma_start3A_25 = tpu.memref_slice %arg7[%dma_start3A_21, %dma_start3A_23, %dma_start3A_24] : memref<4x128x64xf32, #tpu.memory_space<vmem>> -> memref<1x128x64xf32, #tpu.memory_space<vmem>>
    %dma_start3A_26 = tpu.memref_squeeze %dma_start3A_25 : memref<1x128x64xf32, #tpu.memory_space<vmem>> -> memref<128x64xf32, #tpu.memory_space<vmem>>
    %dma_start3A_27 = arith.constant 128 : i32
    %dma_start3A_28 = tpu.memref_slice %arg6[%dma_start3A_27] : memref<25088xi32, #tpu.memory_space<vmem>> -> memref<128xi32, #tpu.memory_space<vmem>>
    %dma_start3A_29 = arith.constant 0 : i32
    %dma_start3A_30 = arith.constant 0 : i32
    %dma_start3A_31 = tpu.memref_slice %arg2[%dma_start3A_29, %dma_start3A_30] : memref<50000x64xf32, #tpu.memory_space<hbm>> -> memref<50000x64xf32, #tpu.memory_space<hbm>>
    %dma_start3A_32 = tpu.memref_slice %arg8[%dma_start3A_22] : memref<4x!tpu.dma_semaphore, #tpu.memory_space<semaphore_mem>> -> memref<1x!tpu.dma_semaphore, #tpu.memory_space<semaphore_mem>>
    %dma_start3A_33 = tpu.memref_squeeze %dma_start3A_32 : memref<1x!tpu.dma_semaphore, #tpu.memory_space<semaphore_mem>> -> memref<!tpu.dma_semaphore, #tpu.memory_space<semaphore_mem>>
    tpu.enqueue_indirect_dma source(%dma_start3A_31 : memref<50000x64xf32, #tpu.memory_space<hbm>>) target(%dma_start3A_26 : memref<128x64xf32, #tpu.memory_space<vmem>>) offsets(%dma_start3A_28 : memref<128xi32, #tpu.memory_space<vmem>>) semaphore(%dma_start3A_33 : memref<!tpu.dma_semaphore, #tpu.memory_space<semaphore_mem>>)
    %dma_start3A_34 = arith.constant 2 : i32
    %dma_start3A_35 = arith.constant 2 : i32
    %dma_start3A_36 = arith.constant 0 : i32
    %dma_start3A_37 = arith.constant 0 : i32
    %dma_start3A_38 = tpu.memref_slice %arg7[%dma_start3A_34, %dma_start3A_36, %dma_start3A_37] : memref<4x128x64xf32, #tpu.memory_space<vmem>> -> memref<1x128x64xf32, #tpu.memory_space<vmem>>
    %dma_start3A_39 = tpu.memref_squeeze %dma_start3A_38 : memref<1x128x64xf32, #tpu.memory_space<vmem>> -> memref<128x64xf32, #tpu.memory_space<vmem>>
    %dma_start3A_40 = arith.constant 256 : i32
    %dma_start3A_41 = tpu.memref_slice %arg6[%dma_start3A_40] : memref<25088xi32, #tpu.memory_space<vmem>> -> memref<128xi32, #tpu.memory_space<vmem>>
    %dma_start3A_42 = arith.constant 0 : i32
    %dma_start3A_43 = arith.constant 0 : i32
    %dma_start3A_44 = tpu.memref_slice %arg2[%dma_start3A_42, %dma_start3A_43] : memref<50000x64xf32, #tpu.memory_space<hbm>> -> memref<50000x64xf32, #tpu.memory_space<hbm>>
    %dma_start3A_45 = tpu.memref_slice %arg8[%dma_start3A_35] : memref<4x!tpu.dma_semaphore, #tpu.memory_space<semaphore_mem>> -> memref<1x!tpu.dma_semaphore, #tpu.memory_space<semaphore_mem>>
    %dma_start3A_46 = tpu.memref_squeeze %dma_start3A_45 : memref<1x!tpu.dma_semaphore, #tpu.memory_space<semaphore_mem>> -> memref<!tpu.dma_semaphore, #tpu.memory_space<semaphore_mem>>
    tpu.enqueue_indirect_dma source(%dma_start3A_44 : memref<50000x64xf32, #tpu.memory_space<hbm>>) target(%dma_start3A_39 : memref<128x64xf32, #tpu.memory_space<vmem>>) offsets(%dma_start3A_41 : memref<128xi32, #tpu.memory_space<vmem>>) semaphore(%dma_start3A_46 : memref<!tpu.dma_semaphore, #tpu.memory_space<semaphore_mem>>)
    %scan3A_47 = arith.constant 0 : i32
    %scan3A_48 = arith.constant 49 : i32
    %scan3A_49 = arith.addi %scan3A_47, %scan3A_48 : i32
    %scan3A_50 = arith.constant 1 : i32
    scf.for %scan3A_71 = %scan3A_47 to %scan3A_49 step %scan3A_50  : i32 {
      %mul3A_72 = arith.constant 4 : i32
      %mul3A_73 = arith.muli %scan3A_71, %mul3A_72 : i32
      %add3A_74 = arith.constant 0 : i32
      %add3A_75 = arith.addi %add3A_74, %mul3A_73 : i32
      %add3A_76 = arith.constant 0 : i32
      %add3A_77 = arith.addi %add3A_75, %add3A_76 : i32
      %mul3A_78 = arith.constant 128 : i32
      %mul3A_79 = arith.muli %add3A_77, %mul3A_78 : i32
      %dma_wait3A_80 = arith.constant 0 : i32
      %dma_wait3A_81 = arith.constant 0 : i32
      %dma_wait3A_82 = arith.constant 0 : i32
      %dma_wait3A_83 = arith.constant 0 : i32
      %dma_wait3A_84 = tpu.memref_slice %arg7[%dma_wait3A_80, %dma_wait3A_82, %dma_wait3A_83] : memref<4x128x64xf32, #tpu.memory_space<vmem>> -> memref<1x128x64xf32, #tpu.memory_space<vmem>>
      %dma_wait3A_85 = tpu.memref_squeeze %dma_wait3A_84 : memref<1x128x64xf32, #tpu.memory_space<vmem>> -> memref<128x64xf32, #tpu.memory_space<vmem>>
      %dma_wait3A_86 = tpu.memref_slice %arg6[%mul3A_79] : memref<25088xi32, #tpu.memory_space<vmem>> -> memref<128xi32, #tpu.memory_space<vmem>>
      %dma_wait3A_87 = arith.constant 0 : i32
      %dma_wait3A_88 = arith.constant 0 : i32
      %dma_wait3A_89 = tpu.memref_slice %arg2[%dma_wait3A_87, %dma_wait3A_88] : memref<50000x64xf32, #tpu.memory_space<hbm>> -> memref<50000x64xf32, #tpu.memory_space<hbm>>
      %dma_wait3A_90 = tpu.memref_slice %arg8[%dma_wait3A_81] : memref<4x!tpu.dma_semaphore, #tpu.memory_space<semaphore_mem>> -> memref<1x!tpu.dma_semaphore, #tpu.memory_space<semaphore_mem>>
      %dma_wait3A_91 = tpu.memref_squeeze %dma_wait3A_90 : memref<1x!tpu.dma_semaphore, #tpu.memory_space<semaphore_mem>> -> memref<!tpu.dma_semaphore, #tpu.memory_space<semaphore_mem>>
      tpu.wait_indirect_dma semaphore(%dma_wait3A_91 : memref<!tpu.dma_semaphore, #tpu.memory_space<semaphore_mem>>) src(%dma_wait3A_89 : memref<50000x64xf32, #tpu.memory_space<hbm>>) dst(%dma_wait3A_85 : memref<128x64xf32, #tpu.memory_space<vmem>>)
      %add3A_92 = arith.addi %mul3A_2, %add3A_77 : i32
      %mul3A_93 = arith.constant 128 : i32
      %mul3A_94 = arith.muli %add3A_92, %mul3A_93 : i32
      %dma_start3A_95 = arith.constant 0 : i32
      %dma_start3A_96 = arith.constant 0 : i32
      %dma_start3A_97 = arith.constant 0 : i32
      %dma_start3A_98 = arith.constant 0 : i32
      %dma_start3A_99 = tpu.memref_slice %arg7[%dma_start3A_95, %dma_start3A_97, %dma_start3A_98] : memref<4x128x64xf32, #tpu.memory_space<vmem>> -> memref<1x128x64xf32, #tpu.memory_space<vmem>>
      %dma_start3A_100 = tpu.memref_squeeze %dma_start3A_99 : memref<1x128x64xf32, #tpu.memory_space<vmem>> -> memref<128x64xf32, #tpu.memory_space<vmem>>
      %dma_start3A_101 = arith.constant 0 : i32
      %dma_start3A_102 = tpu.memref_slice %arg4[%mul3A_94, %dma_start3A_101] : memref<802816x64xf32, #tpu.memory_space<hbm>> -> memref<128x64xf32, #tpu.memory_space<hbm>>
      %dma_start3A_103 = tpu.memref_slice %arg9[%dma_start3A_96] : memref<4x!tpu.dma_semaphore, #tpu.memory_space<semaphore_mem>> -> memref<1x!tpu.dma_semaphore, #tpu.memory_space<semaphore_mem>>
      %dma_start3A_104 = tpu.memref_squeeze %dma_start3A_103 : memref<1x!tpu.dma_semaphore, #tpu.memory_space<semaphore_mem>> -> memref<!tpu.dma_semaphore, #tpu.memory_space<semaphore_mem>>
      %dma_start3A_105 = arith.constant 0 : i32
      %dma_start3A_106 = tpu.memref_slice %arg4[%mul3A_94, %dma_start3A_105] : memref<802816x64xf32, #tpu.memory_space<hbm>> -> memref<128x64xf32, #tpu.memory_space<hbm>>
      %dma_start3A_107 = arith.constant 0 : i32
      %dma_start3A_108 = arith.constant 0 : i32
      %dma_start3A_109 = tpu.memref_slice %arg7[%dma_start3A_95, %dma_start3A_107, %dma_start3A_108] : memref<4x128x64xf32, #tpu.memory_space<vmem>> -> memref<1x128x64xf32, #tpu.memory_space<vmem>>
      %dma_start3A_110 = tpu.memref_squeeze %dma_start3A_109 : memref<1x128x64xf32, #tpu.memory_space<vmem>> -> memref<128x64xf32, #tpu.memory_space<vmem>>
      tpu.enqueue_dma source(%dma_start3A_110 : memref<128x64xf32, #tpu.memory_space<vmem>>) target(%dma_start3A_106 : memref<128x64xf32, #tpu.memory_space<hbm>>) target_semaphore(%dma_start3A_104 : memref<!tpu.dma_semaphore, #tpu.memory_space<semaphore_mem>>)
      %ge3A = arith.constant 1 : i32
      %ge3A_111 = arith.cmpi sge, %add3A_77, %ge3A : i32
      %convert_element_type3A = arith.extui %ge3A_111 : i1 to i32
      %cond3A = arith.constant 0 : i32
      %cond3A_112 = arith.cmpi ne, %convert_element_type3A, %cond3A : i32
      scf.if %cond3A_112 {
        %sub3A = arith.constant 1 : i32
        %sub3A_260 = arith.subi %add3A_77, %sub3A : i32
        %add3A_261 = arith.addi %mul3A_2, %sub3A_260 : i32
        %mul3A_262 = arith.constant 128 : i32
        %mul3A_263 = arith.muli %add3A_261, %mul3A_262 : i32
        %dma_wait3A_264 = arith.constant 3 : i32
        %dma_wait3A_265 = arith.constant 3 : i32
        %dma_wait3A_266 = arith.constant 0 : i32
        %dma_wait3A_267 = arith.constant 0 : i32
        %dma_wait3A_268 = tpu.memref_slice %arg7[%dma_wait3A_264, %dma_wait3A_266, %dma_wait3A_267] : memref<4x128x64xf32, #tpu.memory_space<vmem>> -> memref<1x128x64xf32, #tpu.memory_space<vmem>>
        %dma_wait3A_269 = tpu.memref_squeeze %dma_wait3A_268 : memref<1x128x64xf32, #tpu.memory_space<vmem>> -> memref<128x64xf32, #tpu.memory_space<vmem>>
        %dma_wait3A_270 = arith.constant 0 : i32
        %dma_wait3A_271 = tpu.memref_slice %arg4[%mul3A_263, %dma_wait3A_270] : memref<802816x64xf32, #tpu.memory_space<hbm>> -> memref<128x64xf32, #tpu.memory_space<hbm>>
        %dma_wait3A_272 = tpu.memref_slice %arg9[%dma_wait3A_265] : memref<4x!tpu.dma_semaphore, #tpu.memory_space<semaphore_mem>> -> memref<1x!tpu.dma_semaphore, #tpu.memory_space<semaphore_mem>>
        %dma_wait3A_273 = tpu.memref_squeeze %dma_wait3A_272 : memref<1x!tpu.dma_semaphore, #tpu.memory_space<semaphore_mem>> -> memref<!tpu.dma_semaphore, #tpu.memory_space<semaphore_mem>>
        %dma_wait3A_274 = arith.constant 0 : i32
        %dma_wait3A_275 = tpu.memref_slice %arg4[%mul3A_263, %dma_wait3A_274] : memref<802816x64xf32, #tpu.memory_space<hbm>> -> memref<128x64xf32, #tpu.memory_space<hbm>>
        %dma_wait3A_276 = arith.constant 0 : i32
        %dma_wait3A_277 = arith.constant 0 : i32
        %dma_wait3A_278 = tpu.memref_slice %arg7[%dma_wait3A_264, %dma_wait3A_276, %dma_wait3A_277] : memref<4x128x64xf32, #tpu.memory_space<vmem>> -> memref<1x128x64xf32, #tpu.memory_space<vmem>>
        %dma_wait3A_279 = tpu.memref_squeeze %dma_wait3A_278 : memref<1x128x64xf32, #tpu.memory_space<vmem>> -> memref<128x64xf32, #tpu.memory_space<vmem>>
        tpu.wait_dma2 semaphore(%dma_wait3A_273 : memref<!tpu.dma_semaphore, #tpu.memory_space<semaphore_mem>>) src(%dma_wait3A_279 : memref<128x64xf32, #tpu.memory_space<vmem>>) dst(%dma_wait3A_275 : memref<128x64xf32, #tpu.memory_space<hbm>>)
      } else {
      }
      %add3A_113 = arith.constant 3 : i32
      %add3A_114 = arith.addi %add3A_77, %add3A_113 : i32
      %lt3A = arith.constant 196 : i32
      %lt3A_115 = arith.cmpi slt, %add3A_114, %lt3A : i32
      %convert_element_type3A_116 = arith.extui %lt3A_115 : i1 to i32
      %cond3A_117 = arith.constant 0 : i32
      %cond3A_118 = arith.cmpi ne, %convert_element_type3A_116, %cond3A_117 : i32
      scf.if %cond3A_118 {
        %add3A_260 = arith.constant 3 : i32
        %add3A_261 = arith.addi %add3A_77, %add3A_260 : i32
        %mul3A_262 = arith.constant 128 : i32
        %mul3A_263 = arith.muli %add3A_261, %mul3A_262 : i32
        %dma_start3A_264 = arith.constant 3 : i32
        %dma_start3A_265 = arith.constant 3 : i32
        %dma_start3A_266 = arith.constant 0 : i32
        %dma_start3A_267 = arith.constant 0 : i32
        %dma_start3A_268 = tpu.memref_slice %arg7[%dma_start3A_264, %dma_start3A_266, %dma_start3A_267] : memref<4x128x64xf32, #tpu.memory_space<vmem>> -> memref<1x128x64xf32, #tpu.memory_space<vmem>>
        %dma_start3A_269 = tpu.memref_squeeze %dma_start3A_268 : memref<1x128x64xf32, #tpu.memory_space<vmem>> -> memref<128x64xf32, #tpu.memory_space<vmem>>
        %dma_start3A_270 = tpu.memref_slice %arg6[%mul3A_263] : memref<25088xi32, #tpu.memory_space<vmem>> -> memref<128xi32, #tpu.memory_space<vmem>>
        %dma_start3A_271 = arith.constant 0 : i32
        %dma_start3A_272 = arith.constant 0 : i32
        %dma_start3A_273 = tpu.memref_slice %arg2[%dma_start3A_271, %dma_start3A_272] : memref<50000x64xf32, #tpu.memory_space<hbm>> -> memref<50000x64xf32, #tpu.memory_space<hbm>>
        %dma_start3A_274 = tpu.memref_slice %arg8[%dma_start3A_265] : memref<4x!tpu.dma_semaphore, #tpu.memory_space<semaphore_mem>> -> memref<1x!tpu.dma_semaphore, #tpu.memory_space<semaphore_mem>>
        %dma_start3A_275 = tpu.memref_squeeze %dma_start3A_274 : memref<1x!tpu.dma_semaphore, #tpu.memory_space<semaphore_mem>> -> memref<!tpu.dma_semaphore, #tpu.memory_space<semaphore_mem>>
        tpu.enqueue_indirect_dma source(%dma_start3A_273 : memref<50000x64xf32, #tpu.memory_space<hbm>>) target(%dma_start3A_269 : memref<128x64xf32, #tpu.memory_space<vmem>>) offsets(%dma_start3A_270 : memref<128xi32, #tpu.memory_space<vmem>>) semaphore(%dma_start3A_275 : memref<!tpu.dma_semaphore, #tpu.memory_space<semaphore_mem>>)
      } else {
      }
      %add3A_119 = arith.constant 1 : i32
      %add3A_120 = arith.addi %add3A_75, %add3A_119 : i32
      %mul3A_121 = arith.constant 128 : i32
      %mul3A_122 = arith.muli %add3A_120, %mul3A_121 : i32
      %dma_wait3A_123 = arith.constant 1 : i32
      %dma_wait3A_124 = arith.constant 1 : i32
      %dma_wait3A_125 = arith.constant 0 : i32
      %dma_wait3A_126 = arith.constant 0 : i32
      %dma_wait3A_127 = tpu.memref_slice %arg7[%dma_wait3A_123, %dma_wait3A_125, %dma_wait3A_126] : memref<4x128x64xf32, #tpu.memory_space<vmem>> -> memref<1x128x64xf32, #tpu.memory_space<vmem>>
      %dma_wait3A_128 = tpu.memref_squeeze %dma_wait3A_127 : memref<1x128x64xf32, #tpu.memory_space<vmem>> -> memref<128x64xf32, #tpu.memory_space<vmem>>
      %dma_wait3A_129 = tpu.memref_slice %arg6[%mul3A_122] : memref<25088xi32, #tpu.memory_space<vmem>> -> memref<128xi32, #tpu.memory_space<vmem>>
      %dma_wait3A_130 = arith.constant 0 : i32
      %dma_wait3A_131 = arith.constant 0 : i32
      %dma_wait3A_132 = tpu.memref_slice %arg2[%dma_wait3A_130, %dma_wait3A_131] : memref<50000x64xf32, #tpu.memory_space<hbm>> -> memref<50000x64xf32, #tpu.memory_space<hbm>>
      %dma_wait3A_133 = tpu.memref_slice %arg8[%dma_wait3A_124] : memref<4x!tpu.dma_semaphore, #tpu.memory_space<semaphore_mem>> -> memref<1x!tpu.dma_semaphore, #tpu.memory_space<semaphore_mem>>
      %dma_wait3A_134 = tpu.memref_squeeze %dma_wait3A_133 : memref<1x!tpu.dma_semaphore, #tpu.memory_space<semaphore_mem>> -> memref<!tpu.dma_semaphore, #tpu.memory_space<semaphore_mem>>
      tpu.wait_indirect_dma semaphore(%dma_wait3A_134 : memref<!tpu.dma_semaphore, #tpu.memory_space<semaphore_mem>>) src(%dma_wait3A_132 : memref<50000x64xf32, #tpu.memory_space<hbm>>) dst(%dma_wait3A_128 : memref<128x64xf32, #tpu.memory_space<vmem>>)
      %add3A_135 = arith.addi %mul3A_2, %add3A_120 : i32
      %mul3A_136 = arith.constant 128 : i32
      %mul3A_137 = arith.muli %add3A_135, %mul3A_136 : i32
      %dma_start3A_138 = arith.constant 1 : i32
      %dma_start3A_139 = arith.constant 1 : i32
      %dma_start3A_140 = arith.constant 0 : i32
      %dma_start3A_141 = arith.constant 0 : i32
      %dma_start3A_142 = tpu.memref_slice %arg7[%dma_start3A_138, %dma_start3A_140, %dma_start3A_141] : memref<4x128x64xf32, #tpu.memory_space<vmem>> -> memref<1x128x64xf32, #tpu.memory_space<vmem>>
      %dma_start3A_143 = tpu.memref_squeeze %dma_start3A_142 : memref<1x128x64xf32, #tpu.memory_space<vmem>> -> memref<128x64xf32, #tpu.memory_space<vmem>>
      %dma_start3A_144 = arith.constant 0 : i32
      %dma_start3A_145 = tpu.memref_slice %arg4[%mul3A_137, %dma_start3A_144] : memref<802816x64xf32, #tpu.memory_space<hbm>> -> memref<128x64xf32, #tpu.memory_space<hbm>>
      %dma_start3A_146 = tpu.memref_slice %arg9[%dma_start3A_139] : memref<4x!tpu.dma_semaphore, #tpu.memory_space<semaphore_mem>> -> memref<1x!tpu.dma_semaphore, #tpu.memory_space<semaphore_mem>>
      %dma_start3A_147 = tpu.memref_squeeze %dma_start3A_146 : memref<1x!tpu.dma_semaphore, #tpu.memory_space<semaphore_mem>> -> memref<!tpu.dma_semaphore, #tpu.memory_space<semaphore_mem>>
      %dma_start3A_148 = arith.constant 0 : i32
      %dma_start3A_149 = tpu.memref_slice %arg4[%mul3A_137, %dma_start3A_148] : memref<802816x64xf32, #tpu.memory_space<hbm>> -> memref<128x64xf32, #tpu.memory_space<hbm>>
      %dma_start3A_150 = arith.constant 0 : i32
      %dma_start3A_151 = arith.constant 0 : i32
      %dma_start3A_152 = tpu.memref_slice %arg7[%dma_start3A_138, %dma_start3A_150, %dma_start3A_151] : memref<4x128x64xf32, #tpu.memory_space<vmem>> -> memref<1x128x64xf32, #tpu.memory_space<vmem>>
      %dma_start3A_153 = tpu.memref_squeeze %dma_start3A_152 : memref<1x128x64xf32, #tpu.memory_space<vmem>> -> memref<128x64xf32, #tpu.memory_space<vmem>>
      tpu.enqueue_dma source(%dma_start3A_153 : memref<128x64xf32, #tpu.memory_space<vmem>>) target(%dma_start3A_149 : memref<128x64xf32, #tpu.memory_space<hbm>>) target_semaphore(%dma_start3A_147 : memref<!tpu.dma_semaphore, #tpu.memory_space<semaphore_mem>>)
      %ge3A_154 = arith.constant 1 : i32
      %ge3A_155 = arith.cmpi sge, %add3A_120, %ge3A_154 : i32
      %convert_element_type3A_156 = arith.extui %ge3A_155 : i1 to i32
      %cond3A_157 = arith.constant 0 : i32
      %cond3A_158 = arith.cmpi ne, %convert_element_type3A_156, %cond3A_157 : i32
      scf.if %cond3A_158 {
        %sub3A = arith.constant 1 : i32
        %sub3A_260 = arith.subi %add3A_120, %sub3A : i32
        %add3A_261 = arith.addi %mul3A_2, %sub3A_260 : i32
        %mul3A_262 = arith.constant 128 : i32
        %mul3A_263 = arith.muli %add3A_261, %mul3A_262 : i32
        %dma_wait3A_264 = arith.constant 0 : i32
        %dma_wait3A_265 = arith.constant 0 : i32
        %dma_wait3A_266 = arith.constant 0 : i32
        %dma_wait3A_267 = arith.constant 0 : i32
        %dma_wait3A_268 = tpu.memref_slice %arg7[%dma_wait3A_264, %dma_wait3A_266, %dma_wait3A_267] : memref<4x128x64xf32, #tpu.memory_space<vmem>> -> memref<1x128x64xf32, #tpu.memory_space<vmem>>
        %dma_wait3A_269 = tpu.memref_squeeze %dma_wait3A_268 : memref<1x128x64xf32, #tpu.memory_space<vmem>> -> memref<128x64xf32, #tpu.memory_space<vmem>>
        %dma_wait3A_270 = arith.constant 0 : i32
        %dma_wait3A_271 = tpu.memref_slice %arg4[%mul3A_263, %dma_wait3A_270] : memref<802816x64xf32, #tpu.memory_space<hbm>> -> memref<128x64xf32, #tpu.memory_space<hbm>>
        %dma_wait3A_272 = tpu.memref_slice %arg9[%dma_wait3A_265] : memref<4x!tpu.dma_semaphore, #tpu.memory_space<semaphore_mem>> -> memref<1x!tpu.dma_semaphore, #tpu.memory_space<semaphore_mem>>
        %dma_wait3A_273 = tpu.memref_squeeze %dma_wait3A_272 : memref<1x!tpu.dma_semaphore, #tpu.memory_space<semaphore_mem>> -> memref<!tpu.dma_semaphore, #tpu.memory_space<semaphore_mem>>
        %dma_wait3A_274 = arith.constant 0 : i32
        %dma_wait3A_275 = tpu.memref_slice %arg4[%mul3A_263, %dma_wait3A_274] : memref<802816x64xf32, #tpu.memory_space<hbm>> -> memref<128x64xf32, #tpu.memory_space<hbm>>
        %dma_wait3A_276 = arith.constant 0 : i32
        %dma_wait3A_277 = arith.constant 0 : i32
        %dma_wait3A_278 = tpu.memref_slice %arg7[%dma_wait3A_264, %dma_wait3A_276, %dma_wait3A_277] : memref<4x128x64xf32, #tpu.memory_space<vmem>> -> memref<1x128x64xf32, #tpu.memory_space<vmem>>
        %dma_wait3A_279 = tpu.memref_squeeze %dma_wait3A_278 : memref<1x128x64xf32, #tpu.memory_space<vmem>> -> memref<128x64xf32, #tpu.memory_space<vmem>>
        tpu.wait_dma2 semaphore(%dma_wait3A_273 : memref<!tpu.dma_semaphore, #tpu.memory_space<semaphore_mem>>) src(%dma_wait3A_279 : memref<128x64xf32, #tpu.memory_space<vmem>>) dst(%dma_wait3A_275 : memref<128x64xf32, #tpu.memory_space<hbm>>)
      } else {
      }
      %add3A_159 = arith.constant 3 : i32
      %add3A_160 = arith.addi %add3A_120, %add3A_159 : i32
      %lt3A_161 = arith.constant 196 : i32
      %lt3A_162 = arith.cmpi slt, %add3A_160, %lt3A_161 : i32
      %convert_element_type3A_163 = arith.extui %lt3A_162 : i1 to i32
      %cond3A_164 = arith.constant 0 : i32
      %cond3A_165 = arith.cmpi ne, %convert_element_type3A_163, %cond3A_164 : i32
      scf.if %cond3A_165 {
        %add3A_260 = arith.constant 3 : i32
        %add3A_261 = arith.addi %add3A_120, %add3A_260 : i32
        %mul3A_262 = arith.constant 128 : i32
        %mul3A_263 = arith.muli %add3A_261, %mul3A_262 : i32
        %dma_start3A_264 = arith.constant 0 : i32
        %dma_start3A_265 = arith.constant 0 : i32
        %dma_start3A_266 = arith.constant 0 : i32
        %dma_start3A_267 = arith.constant 0 : i32
        %dma_start3A_268 = tpu.memref_slice %arg7[%dma_start3A_264, %dma_start3A_266, %dma_start3A_267] : memref<4x128x64xf32, #tpu.memory_space<vmem>> -> memref<1x128x64xf32, #tpu.memory_space<vmem>>
        %dma_start3A_269 = tpu.memref_squeeze %dma_start3A_268 : memref<1x128x64xf32, #tpu.memory_space<vmem>> -> memref<128x64xf32, #tpu.memory_space<vmem>>
        %dma_start3A_270 = tpu.memref_slice %arg6[%mul3A_263] : memref<25088xi32, #tpu.memory_space<vmem>> -> memref<128xi32, #tpu.memory_space<vmem>>
        %dma_start3A_271 = arith.constant 0 : i32
        %dma_start3A_272 = arith.constant 0 : i32
        %dma_start3A_273 = tpu.memref_slice %arg2[%dma_start3A_271, %dma_start3A_272] : memref<50000x64xf32, #tpu.memory_space<hbm>> -> memref<50000x64xf32, #tpu.memory_space<hbm>>
        %dma_start3A_274 = tpu.memref_slice %arg8[%dma_start3A_265] : memref<4x!tpu.dma_semaphore, #tpu.memory_space<semaphore_mem>> -> memref<1x!tpu.dma_semaphore, #tpu.memory_space<semaphore_mem>>
        %dma_start3A_275 = tpu.memref_squeeze %dma_start3A_274 : memref<1x!tpu.dma_semaphore, #tpu.memory_space<semaphore_mem>> -> memref<!tpu.dma_semaphore, #tpu.memory_space<semaphore_mem>>
        tpu.enqueue_indirect_dma source(%dma_start3A_273 : memref<50000x64xf32, #tpu.memory_space<hbm>>) target(%dma_start3A_269 : memref<128x64xf32, #tpu.memory_space<vmem>>) offsets(%dma_start3A_270 : memref<128xi32, #tpu.memory_space<vmem>>) semaphore(%dma_start3A_275 : memref<!tpu.dma_semaphore, #tpu.memory_space<semaphore_mem>>)
      } else {
      }
      %add3A_166 = arith.constant 2 : i32
      %add3A_167 = arith.addi %add3A_75, %add3A_166 : i32
      %mul3A_168 = arith.constant 128 : i32
      %mul3A_169 = arith.muli %add3A_167, %mul3A_168 : i32
      %dma_wait3A_170 = arith.constant 2 : i32
      %dma_wait3A_171 = arith.constant 2 : i32
      %dma_wait3A_172 = arith.constant 0 : i32
      %dma_wait3A_173 = arith.constant 0 : i32
      %dma_wait3A_174 = tpu.memref_slice %arg7[%dma_wait3A_170, %dma_wait3A_172, %dma_wait3A_173] : memref<4x128x64xf32, #tpu.memory_space<vmem>> -> memref<1x128x64xf32, #tpu.memory_space<vmem>>
      %dma_wait3A_175 = tpu.memref_squeeze %dma_wait3A_174 : memref<1x128x64xf32, #tpu.memory_space<vmem>> -> memref<128x64xf32, #tpu.memory_space<vmem>>
      %dma_wait3A_176 = tpu.memref_slice %arg6[%mul3A_169] : memref<25088xi32, #tpu.memory_space<vmem>> -> memref<128xi32, #tpu.memory_space<vmem>>
      %dma_wait3A_177 = arith.constant 0 : i32
      %dma_wait3A_178 = arith.constant 0 : i32
      %dma_wait3A_179 = tpu.memref_slice %arg2[%dma_wait3A_177, %dma_wait3A_178] : memref<50000x64xf32, #tpu.memory_space<hbm>> -> memref<50000x64xf32, #tpu.memory_space<hbm>>
      %dma_wait3A_180 = tpu.memref_slice %arg8[%dma_wait3A_171] : memref<4x!tpu.dma_semaphore, #tpu.memory_space<semaphore_mem>> -> memref<1x!tpu.dma_semaphore, #tpu.memory_space<semaphore_mem>>
      %dma_wait3A_181 = tpu.memref_squeeze %dma_wait3A_180 : memref<1x!tpu.dma_semaphore, #tpu.memory_space<semaphore_mem>> -> memref<!tpu.dma_semaphore, #tpu.memory_space<semaphore_mem>>
      tpu.wait_indirect_dma semaphore(%dma_wait3A_181 : memref<!tpu.dma_semaphore, #tpu.memory_space<semaphore_mem>>) src(%dma_wait3A_179 : memref<50000x64xf32, #tpu.memory_space<hbm>>) dst(%dma_wait3A_175 : memref<128x64xf32, #tpu.memory_space<vmem>>)
      %add3A_182 = arith.addi %mul3A_2, %add3A_167 : i32
      %mul3A_183 = arith.constant 128 : i32
      %mul3A_184 = arith.muli %add3A_182, %mul3A_183 : i32
      %dma_start3A_185 = arith.constant 2 : i32
      %dma_start3A_186 = arith.constant 2 : i32
      %dma_start3A_187 = arith.constant 0 : i32
      %dma_start3A_188 = arith.constant 0 : i32
      %dma_start3A_189 = tpu.memref_slice %arg7[%dma_start3A_185, %dma_start3A_187, %dma_start3A_188] : memref<4x128x64xf32, #tpu.memory_space<vmem>> -> memref<1x128x64xf32, #tpu.memory_space<vmem>>
      %dma_start3A_190 = tpu.memref_squeeze %dma_start3A_189 : memref<1x128x64xf32, #tpu.memory_space<vmem>> -> memref<128x64xf32, #tpu.memory_space<vmem>>
      %dma_start3A_191 = arith.constant 0 : i32
      %dma_start3A_192 = tpu.memref_slice %arg4[%mul3A_184, %dma_start3A_191] : memref<802816x64xf32, #tpu.memory_space<hbm>> -> memref<128x64xf32, #tpu.memory_space<hbm>>
      %dma_start3A_193 = tpu.memref_slice %arg9[%dma_start3A_186] : memref<4x!tpu.dma_semaphore, #tpu.memory_space<semaphore_mem>> -> memref<1x!tpu.dma_semaphore, #tpu.memory_space<semaphore_mem>>
      %dma_start3A_194 = tpu.memref_squeeze %dma_start3A_193 : memref<1x!tpu.dma_semaphore, #tpu.memory_space<semaphore_mem>> -> memref<!tpu.dma_semaphore, #tpu.memory_space<semaphore_mem>>
      %dma_start3A_195 = arith.constant 0 : i32
      %dma_start3A_196 = tpu.memref_slice %arg4[%mul3A_184, %dma_start3A_195] : memref<802816x64xf32, #tpu.memory_space<hbm>> -> memref<128x64xf32, #tpu.memory_space<hbm>>
      %dma_start3A_197 = arith.constant 0 : i32
      %dma_start3A_198 = arith.constant 0 : i32
      %dma_start3A_199 = tpu.memref_slice %arg7[%dma_start3A_185, %dma_start3A_197, %dma_start3A_198] : memref<4x128x64xf32, #tpu.memory_space<vmem>> -> memref<1x128x64xf32, #tpu.memory_space<vmem>>
      %dma_start3A_200 = tpu.memref_squeeze %dma_start3A_199 : memref<1x128x64xf32, #tpu.memory_space<vmem>> -> memref<128x64xf32, #tpu.memory_space<vmem>>
      tpu.enqueue_dma source(%dma_start3A_200 : memref<128x64xf32, #tpu.memory_space<vmem>>) target(%dma_start3A_196 : memref<128x64xf32, #tpu.memory_space<hbm>>) target_semaphore(%dma_start3A_194 : memref<!tpu.dma_semaphore, #tpu.memory_space<semaphore_mem>>)
      %ge3A_201 = arith.constant 1 : i32
      %ge3A_202 = arith.cmpi sge, %add3A_167, %ge3A_201 : i32
      %convert_element_type3A_203 = arith.extui %ge3A_202 : i1 to i32
      %cond3A_204 = arith.constant 0 : i32
      %cond3A_205 = arith.cmpi ne, %convert_element_type3A_203, %cond3A_204 : i32
      scf.if %cond3A_205 {
        %sub3A = arith.constant 1 : i32
        %sub3A_260 = arith.subi %add3A_167, %sub3A : i32
        %add3A_261 = arith.addi %mul3A_2, %sub3A_260 : i32
        %mul3A_262 = arith.constant 128 : i32
        %mul3A_263 = arith.muli %add3A_261, %mul3A_262 : i32
        %dma_wait3A_264 = arith.constant 1 : i32
        %dma_wait3A_265 = arith.constant 1 : i32
        %dma_wait3A_266 = arith.constant 0 : i32
        %dma_wait3A_267 = arith.constant 0 : i32
        %dma_wait3A_268 = tpu.memref_slice %arg7[%dma_wait3A_264, %dma_wait3A_266, %dma_wait3A_267] : memref<4x128x64xf32, #tpu.memory_space<vmem>> -> memref<1x128x64xf32, #tpu.memory_space<vmem>>
        %dma_wait3A_269 = tpu.memref_squeeze %dma_wait3A_268 : memref<1x128x64xf32, #tpu.memory_space<vmem>> -> memref<128x64xf32, #tpu.memory_space<vmem>>
        %dma_wait3A_270 = arith.constant 0 : i32
        %dma_wait3A_271 = tpu.memref_slice %arg4[%mul3A_263, %dma_wait3A_270] : memref<802816x64xf32, #tpu.memory_space<hbm>> -> memref<128x64xf32, #tpu.memory_space<hbm>>
        %dma_wait3A_272 = tpu.memref_slice %arg9[%dma_wait3A_265] : memref<4x!tpu.dma_semaphore, #tpu.memory_space<semaphore_mem>> -> memref<1x!tpu.dma_semaphore, #tpu.memory_space<semaphore_mem>>
        %dma_wait3A_273 = tpu.memref_squeeze %dma_wait3A_272 : memref<1x!tpu.dma_semaphore, #tpu.memory_space<semaphore_mem>> -> memref<!tpu.dma_semaphore, #tpu.memory_space<semaphore_mem>>
        %dma_wait3A_274 = arith.constant 0 : i32
        %dma_wait3A_275 = tpu.memref_slice %arg4[%mul3A_263, %dma_wait3A_274] : memref<802816x64xf32, #tpu.memory_space<hbm>> -> memref<128x64xf32, #tpu.memory_space<hbm>>
        %dma_wait3A_276 = arith.constant 0 : i32
        %dma_wait3A_277 = arith.constant 0 : i32
        %dma_wait3A_278 = tpu.memref_slice %arg7[%dma_wait3A_264, %dma_wait3A_276, %dma_wait3A_277] : memref<4x128x64xf32, #tpu.memory_space<vmem>> -> memref<1x128x64xf32, #tpu.memory_space<vmem>>
        %dma_wait3A_279 = tpu.memref_squeeze %dma_wait3A_278 : memref<1x128x64xf32, #tpu.memory_space<vmem>> -> memref<128x64xf32, #tpu.memory_space<vmem>>
        tpu.wait_dma2 semaphore(%dma_wait3A_273 : memref<!tpu.dma_semaphore, #tpu.memory_space<semaphore_mem>>) src(%dma_wait3A_279 : memref<128x64xf32, #tpu.memory_space<vmem>>) dst(%dma_wait3A_275 : memref<128x64xf32, #tpu.memory_space<hbm>>)
      } else {
      }
      %add3A_206 = arith.constant 3 : i32
      %add3A_207 = arith.addi %add3A_167, %add3A_206 : i32
      %lt3A_208 = arith.constant 196 : i32
      %lt3A_209 = arith.cmpi slt, %add3A_207, %lt3A_208 : i32
      %convert_element_type3A_210 = arith.extui %lt3A_209 : i1 to i32
      %cond3A_211 = arith.constant 0 : i32
      %cond3A_212 = arith.cmpi ne, %convert_element_type3A_210, %cond3A_211 : i32
      scf.if %cond3A_212 {
        %add3A_260 = arith.constant 3 : i32
        %add3A_261 = arith.addi %add3A_167, %add3A_260 : i32
        %mul3A_262 = arith.constant 128 : i32
        %mul3A_263 = arith.muli %add3A_261, %mul3A_262 : i32
        %dma_start3A_264 = arith.constant 1 : i32
        %dma_start3A_265 = arith.constant 1 : i32
        %dma_start3A_266 = arith.constant 0 : i32
        %dma_start3A_267 = arith.constant 0 : i32
        %dma_start3A_268 = tpu.memref_slice %arg7[%dma_start3A_264, %dma_start3A_266, %dma_start3A_267] : memref<4x128x64xf32, #tpu.memory_space<vmem>> -> memref<1x128x64xf32, #tpu.memory_space<vmem>>
        %dma_start3A_269 = tpu.memref_squeeze %dma_start3A_268 : memref<1x128x64xf32, #tpu.memory_space<vmem>> -> memref<128x64xf32, #tpu.memory_space<vmem>>
        %dma_start3A_270 = tpu.memref_slice %arg6[%mul3A_263] : memref<25088xi32, #tpu.memory_space<vmem>> -> memref<128xi32, #tpu.memory_space<vmem>>
        %dma_start3A_271 = arith.constant 0 : i32
        %dma_start3A_272 = arith.constant 0 : i32
        %dma_start3A_273 = tpu.memref_slice %arg2[%dma_start3A_271, %dma_start3A_272] : memref<50000x64xf32, #tpu.memory_space<hbm>> -> memref<50000x64xf32, #tpu.memory_space<hbm>>
        %dma_start3A_274 = tpu.memref_slice %arg8[%dma_start3A_265] : memref<4x!tpu.dma_semaphore, #tpu.memory_space<semaphore_mem>> -> memref<1x!tpu.dma_semaphore, #tpu.memory_space<semaphore_mem>>
        %dma_start3A_275 = tpu.memref_squeeze %dma_start3A_274 : memref<1x!tpu.dma_semaphore, #tpu.memory_space<semaphore_mem>> -> memref<!tpu.dma_semaphore, #tpu.memory_space<semaphore_mem>>
        tpu.enqueue_indirect_dma source(%dma_start3A_273 : memref<50000x64xf32, #tpu.memory_space<hbm>>) target(%dma_start3A_269 : memref<128x64xf32, #tpu.memory_space<vmem>>) offsets(%dma_start3A_270 : memref<128xi32, #tpu.memory_space<vmem>>) semaphore(%dma_start3A_275 : memref<!tpu.dma_semaphore, #tpu.memory_space<semaphore_mem>>)
      } else {
      }
      %add3A_213 = arith.constant 3 : i32
      %add3A_214 = arith.addi %add3A_75, %add3A_213 : i32
      %mul3A_215 = arith.constant 128 : i32
      %mul3A_216 = arith.muli %add3A_214, %mul3A_215 : i32
      %dma_wait3A_217 = arith.constant 3 : i32
      %dma_wait3A_218 = arith.constant 3 : i32
      %dma_wait3A_219 = arith.constant 0 : i32
      %dma_wait3A_220 = arith.constant 0 : i32
      %dma_wait3A_221 = tpu.memref_slice %arg7[%dma_wait3A_217, %dma_wait3A_219, %dma_wait3A_220] : memref<4x128x64xf32, #tpu.memory_space<vmem>> -> memref<1x128x64xf32, #tpu.memory_space<vmem>>
      %dma_wait3A_222 = tpu.memref_squeeze %dma_wait3A_221 : memref<1x128x64xf32, #tpu.memory_space<vmem>> -> memref<128x64xf32, #tpu.memory_space<vmem>>
      %dma_wait3A_223 = tpu.memref_slice %arg6[%mul3A_216] : memref<25088xi32, #tpu.memory_space<vmem>> -> memref<128xi32, #tpu.memory_space<vmem>>
      %dma_wait3A_224 = arith.constant 0 : i32
      %dma_wait3A_225 = arith.constant 0 : i32
      %dma_wait3A_226 = tpu.memref_slice %arg2[%dma_wait3A_224, %dma_wait3A_225] : memref<50000x64xf32, #tpu.memory_space<hbm>> -> memref<50000x64xf32, #tpu.memory_space<hbm>>
      %dma_wait3A_227 = tpu.memref_slice %arg8[%dma_wait3A_218] : memref<4x!tpu.dma_semaphore, #tpu.memory_space<semaphore_mem>> -> memref<1x!tpu.dma_semaphore, #tpu.memory_space<semaphore_mem>>
      %dma_wait3A_228 = tpu.memref_squeeze %dma_wait3A_227 : memref<1x!tpu.dma_semaphore, #tpu.memory_space<semaphore_mem>> -> memref<!tpu.dma_semaphore, #tpu.memory_space<semaphore_mem>>
      tpu.wait_indirect_dma semaphore(%dma_wait3A_228 : memref<!tpu.dma_semaphore, #tpu.memory_space<semaphore_mem>>) src(%dma_wait3A_226 : memref<50000x64xf32, #tpu.memory_space<hbm>>) dst(%dma_wait3A_222 : memref<128x64xf32, #tpu.memory_space<vmem>>)
      %add3A_229 = arith.addi %mul3A_2, %add3A_214 : i32
      %mul3A_230 = arith.constant 128 : i32
      %mul3A_231 = arith.muli %add3A_229, %mul3A_230 : i32
      %dma_start3A_232 = arith.constant 3 : i32
      %dma_start3A_233 = arith.constant 3 : i32
      %dma_start3A_234 = arith.constant 0 : i32
      %dma_start3A_235 = arith.constant 0 : i32
      %dma_start3A_236 = tpu.memref_slice %arg7[%dma_start3A_232, %dma_start3A_234, %dma_start3A_235] : memref<4x128x64xf32, #tpu.memory_space<vmem>> -> memref<1x128x64xf32, #tpu.memory_space<vmem>>
      %dma_start3A_237 = tpu.memref_squeeze %dma_start3A_236 : memref<1x128x64xf32, #tpu.memory_space<vmem>> -> memref<128x64xf32, #tpu.memory_space<vmem>>
      %dma_start3A_238 = arith.constant 0 : i32
      %dma_start3A_239 = tpu.memref_slice %arg4[%mul3A_231, %dma_start3A_238] : memref<802816x64xf32, #tpu.memory_space<hbm>> -> memref<128x64xf32, #tpu.memory_space<hbm>>
      %dma_start3A_240 = tpu.memref_slice %arg9[%dma_start3A_233] : memref<4x!tpu.dma_semaphore, #tpu.memory_space<semaphore_mem>> -> memref<1x!tpu.dma_semaphore, #tpu.memory_space<semaphore_mem>>
      %dma_start3A_241 = tpu.memref_squeeze %dma_start3A_240 : memref<1x!tpu.dma_semaphore, #tpu.memory_space<semaphore_mem>> -> memref<!tpu.dma_semaphore, #tpu.memory_space<semaphore_mem>>
      %dma_start3A_242 = arith.constant 0 : i32
      %dma_start3A_243 = tpu.memref_slice %arg4[%mul3A_231, %dma_start3A_242] : memref<802816x64xf32, #tpu.memory_space<hbm>> -> memref<128x64xf32, #tpu.memory_space<hbm>>
      %dma_start3A_244 = arith.constant 0 : i32
      %dma_start3A_245 = arith.constant 0 : i32
      %dma_start3A_246 = tpu.memref_slice %arg7[%dma_start3A_232, %dma_start3A_244, %dma_start3A_245] : memref<4x128x64xf32, #tpu.memory_space<vmem>> -> memref<1x128x64xf32, #tpu.memory_space<vmem>>
      %dma_start3A_247 = tpu.memref_squeeze %dma_start3A_246 : memref<1x128x64xf32, #tpu.memory_space<vmem>> -> memref<128x64xf32, #tpu.memory_space<vmem>>
      tpu.enqueue_dma source(%dma_start3A_247 : memref<128x64xf32, #tpu.memory_space<vmem>>) target(%dma_start3A_243 : memref<128x64xf32, #tpu.memory_space<hbm>>) target_semaphore(%dma_start3A_241 : memref<!tpu.dma_semaphore, #tpu.memory_space<semaphore_mem>>)
      %ge3A_248 = arith.constant 1 : i32
      %ge3A_249 = arith.cmpi sge, %add3A_214, %ge3A_248 : i32
      %convert_element_type3A_250 = arith.extui %ge3A_249 : i1 to i32
      %cond3A_251 = arith.constant 0 : i32
      %cond3A_252 = arith.cmpi ne, %convert_element_type3A_250, %cond3A_251 : i32
      scf.if %cond3A_252 {
        %sub3A = arith.constant 1 : i32
        %sub3A_260 = arith.subi %add3A_214, %sub3A : i32
        %add3A_261 = arith.addi %mul3A_2, %sub3A_260 : i32
        %mul3A_262 = arith.constant 128 : i32
        %mul3A_263 = arith.muli %add3A_261, %mul3A_262 : i32
        %dma_wait3A_264 = arith.constant 2 : i32
        %dma_wait3A_265 = arith.constant 2 : i32
        %dma_wait3A_266 = arith.constant 0 : i32
        %dma_wait3A_267 = arith.constant 0 : i32
        %dma_wait3A_268 = tpu.memref_slice %arg7[%dma_wait3A_264, %dma_wait3A_266, %dma_wait3A_267] : memref<4x128x64xf32, #tpu.memory_space<vmem>> -> memref<1x128x64xf32, #tpu.memory_space<vmem>>
        %dma_wait3A_269 = tpu.memref_squeeze %dma_wait3A_268 : memref<1x128x64xf32, #tpu.memory_space<vmem>> -> memref<128x64xf32, #tpu.memory_space<vmem>>
        %dma_wait3A_270 = arith.constant 0 : i32
        %dma_wait3A_271 = tpu.memref_slice %arg4[%mul3A_263, %dma_wait3A_270] : memref<802816x64xf32, #tpu.memory_space<hbm>> -> memref<128x64xf32, #tpu.memory_space<hbm>>
        %dma_wait3A_272 = tpu.memref_slice %arg9[%dma_wait3A_265] : memref<4x!tpu.dma_semaphore, #tpu.memory_space<semaphore_mem>> -> memref<1x!tpu.dma_semaphore, #tpu.memory_space<semaphore_mem>>
        %dma_wait3A_273 = tpu.memref_squeeze %dma_wait3A_272 : memref<1x!tpu.dma_semaphore, #tpu.memory_space<semaphore_mem>> -> memref<!tpu.dma_semaphore, #tpu.memory_space<semaphore_mem>>
        %dma_wait3A_274 = arith.constant 0 : i32
        %dma_wait3A_275 = tpu.memref_slice %arg4[%mul3A_263, %dma_wait3A_274] : memref<802816x64xf32, #tpu.memory_space<hbm>> -> memref<128x64xf32, #tpu.memory_space<hbm>>
        %dma_wait3A_276 = arith.constant 0 : i32
        %dma_wait3A_277 = arith.constant 0 : i32
        %dma_wait3A_278 = tpu.memref_slice %arg7[%dma_wait3A_264, %dma_wait3A_276, %dma_wait3A_277] : memref<4x128x64xf32, #tpu.memory_space<vmem>> -> memref<1x128x64xf32, #tpu.memory_space<vmem>>
        %dma_wait3A_279 = tpu.memref_squeeze %dma_wait3A_278 : memref<1x128x64xf32, #tpu.memory_space<vmem>> -> memref<128x64xf32, #tpu.memory_space<vmem>>
        tpu.wait_dma2 semaphore(%dma_wait3A_273 : memref<!tpu.dma_semaphore, #tpu.memory_space<semaphore_mem>>) src(%dma_wait3A_279 : memref<128x64xf32, #tpu.memory_space<vmem>>) dst(%dma_wait3A_275 : memref<128x64xf32, #tpu.memory_space<hbm>>)
      } else {
      }
      %add3A_253 = arith.constant 3 : i32
      %add3A_254 = arith.addi %add3A_214, %add3A_253 : i32
      %lt3A_255 = arith.constant 196 : i32
      %lt3A_256 = arith.cmpi slt, %add3A_254, %lt3A_255 : i32
      %convert_element_type3A_257 = arith.extui %lt3A_256 : i1 to i32
      %cond3A_258 = arith.constant 0 : i32
      %cond3A_259 = arith.cmpi ne, %convert_element_type3A_257, %cond3A_258 : i32
      scf.if %cond3A_259 {
        %add3A_260 = arith.constant 3 : i32
        %add3A_261 = arith.addi %add3A_214, %add3A_260 : i32
        %mul3A_262 = arith.constant 128 : i32
        %mul3A_263 = arith.muli %add3A_261, %mul3A_262 : i32
        %dma_start3A_264 = arith.constant 2 : i32
        %dma_start3A_265 = arith.constant 2 : i32
        %dma_start3A_266 = arith.constant 0 : i32
        %dma_start3A_267 = arith.constant 0 : i32
        %dma_start3A_268 = tpu.memref_slice %arg7[%dma_start3A_264, %dma_start3A_266, %dma_start3A_267] : memref<4x128x64xf32, #tpu.memory_space<vmem>> -> memref<1x128x64xf32, #tpu.memory_space<vmem>>
        %dma_start3A_269 = tpu.memref_squeeze %dma_start3A_268 : memref<1x128x64xf32, #tpu.memory_space<vmem>> -> memref<128x64xf32, #tpu.memory_space<vmem>>
        %dma_start3A_270 = tpu.memref_slice %arg6[%mul3A_263] : memref<25088xi32, #tpu.memory_space<vmem>> -> memref<128xi32, #tpu.memory_space<vmem>>
        %dma_start3A_271 = arith.constant 0 : i32
        %dma_start3A_272 = arith.constant 0 : i32
        %dma_start3A_273 = tpu.memref_slice %arg2[%dma_start3A_271, %dma_start3A_272] : memref<50000x64xf32, #tpu.memory_space<hbm>> -> memref<50000x64xf32, #tpu.memory_space<hbm>>
        %dma_start3A_274 = tpu.memref_slice %arg8[%dma_start3A_265] : memref<4x!tpu.dma_semaphore, #tpu.memory_space<semaphore_mem>> -> memref<1x!tpu.dma_semaphore, #tpu.memory_space<semaphore_mem>>
        %dma_start3A_275 = tpu.memref_squeeze %dma_start3A_274 : memref<1x!tpu.dma_semaphore, #tpu.memory_space<semaphore_mem>> -> memref<!tpu.dma_semaphore, #tpu.memory_space<semaphore_mem>>
        tpu.enqueue_indirect_dma source(%dma_start3A_273 : memref<50000x64xf32, #tpu.memory_space<hbm>>) target(%dma_start3A_269 : memref<128x64xf32, #tpu.memory_space<vmem>>) offsets(%dma_start3A_270 : memref<128xi32, #tpu.memory_space<vmem>>) semaphore(%dma_start3A_275 : memref<!tpu.dma_semaphore, #tpu.memory_space<semaphore_mem>>)
      } else {
      }
    }
    %scan3A_51 = arith.constant 49 : i32
    %add3A_52 = arith.constant 195 : i32
    %add3A_53 = arith.addi %mul3A_2, %add3A_52 : i32
    %mul3A_54 = arith.constant 128 : i32
    %mul3A_55 = arith.muli %add3A_53, %mul3A_54 : i32
    %dma_wait3A = arith.constant 3 : i32
    %dma_wait3A_56 = arith.constant 3 : i32
    %dma_wait3A_57 = arith.constant 0 : i32
    %dma_wait3A_58 = arith.constant 0 : i32
    %dma_wait3A_59 = tpu.memref_slice %arg7[%dma_wait3A, %dma_wait3A_57, %dma_wait3A_58] : memref<4x128x64xf32, #tpu.memory_space<vmem>> -> memref<1x128x64xf32, #tpu.memory_space<vmem>>
    %dma_wait3A_60 = tpu.memref_squeeze %dma_wait3A_59 : memref<1x128x64xf32, #tpu.memory_space<vmem>> -> memref<128x64xf32, #tpu.memory_space<vmem>>
    %dma_wait3A_61 = arith.constant 0 : i32
    %dma_wait3A_62 = tpu.memref_slice %arg4[%mul3A_55, %dma_wait3A_61] : memref<802816x64xf32, #tpu.memory_space<hbm>> -> memref<128x64xf32, #tpu.memory_space<hbm>>
    %dma_wait3A_63 = tpu.memref_slice %arg9[%dma_wait3A_56] : memref<4x!tpu.dma_semaphore, #tpu.memory_space<semaphore_mem>> -> memref<1x!tpu.dma_semaphore, #tpu.memory_space<semaphore_mem>>
    %dma_wait3A_64 = tpu.memref_squeeze %dma_wait3A_63 : memref<1x!tpu.dma_semaphore, #tpu.memory_space<semaphore_mem>> -> memref<!tpu.dma_semaphore, #tpu.memory_space<semaphore_mem>>
    %dma_wait3A_65 = arith.constant 0 : i32
    %dma_wait3A_66 = tpu.memref_slice %arg4[%mul3A_55, %dma_wait3A_65] : memref<802816x64xf32, #tpu.memory_space<hbm>> -> memref<128x64xf32, #tpu.memory_space<hbm>>
    %dma_wait3A_67 = arith.constant 0 : i32
    %dma_wait3A_68 = arith.constant 0 : i32
    %dma_wait3A_69 = tpu.memref_slice %arg7[%dma_wait3A, %dma_wait3A_67, %dma_wait3A_68] : memref<4x128x64xf32, #tpu.memory_space<vmem>> -> memref<1x128x64xf32, #tpu.memory_space<vmem>>
    %dma_wait3A_70 = tpu.memref_squeeze %dma_wait3A_69 : memref<1x128x64xf32, #tpu.memory_space<vmem>> -> memref<128x64xf32, #tpu.memory_space<vmem>>
    tpu.wait_dma2 semaphore(%dma_wait3A_64 : memref<!tpu.dma_semaphore, #tpu.memory_space<semaphore_mem>>) src(%dma_wait3A_70 : memref<128x64xf32, #tpu.memory_space<vmem>>) dst(%dma_wait3A_66 : memref<128x64xf32, #tpu.memory_space<hbm>>)
    return
  }
}

#map = affine_map<(d0, d1) -> (0, 0)>
module attributes {stable_mosaic.version = 14 : i64} {
  func.func @gather_kernel(%arg0: i32, %arg1: i32, %arg2: memref<50000x64xf32, #tpu.memory_space<hbm>>, %arg3: memref<2x401408xi32, #tpu.memory_space<hbm>>, %arg4: memref<802816x64xf32, #tpu.memory_space<hbm>>, %arg5: memref<2x12544xi32, #tpu.memory_space<vmem>>, %arg6: memref<25088xi32, #tpu.memory_space<vmem>>, %arg7: memref<4x128x64xf32, #tpu.memory_space<vmem>>, %arg8: memref<4x!tpu.dma_semaphore, #tpu.memory_space<semaphore_mem>>, %arg9: memref<4x!tpu.dma_semaphore, #tpu.memory_space<semaphore_mem>>) attributes {dimension_semantics = [#tpu.dimension_semantics<core_parallel>, #tpu.dimension_semantics<subcore_parallel>], iteration_bounds = array<i64: 2, 16>, scalar_prefetch = 0 : i64, scratch_operands = 5 : i64, tpu.core_type = #tpu.core_type<sc_vector_subcore>, window_params = [{transform_indices = #map}, {transform_indices = #map}, {transform_indices = #map}]} {
    %mul3A = arith.constant 2 : i32
    %mul3A_0 = arith.muli %arg1, %mul3A : i32
    %add3A = arith.addi %mul3A_0, %arg0 : i32
    %mul3A_1 = arith.constant 196 : i32
    %mul3A_2 = arith.muli %add3A, %mul3A_1 : i32
    %mul3A_3 = arith.constant 64 : i32
    %mul3A_4 = arith.muli %mul3A_2, %mul3A_3 : i32
    "tpu.region"() ({
      %run_scoped3A = tpu.sem_alloc : memref<!tpu.dma_semaphore, #tpu.memory_space<semaphore_mem>>
      %dma_start3A_71 = arith.constant 0 : i32
      %dma_start3A_72 = tpu.memref_slice %arg3[%dma_start3A_71, %mul3A_4] : memref<2x401408xi32, #tpu.memory_space<hbm>> -> memref<2x12544xi32, #tpu.memory_space<hbm>>
      %dma_start3A_73 = arith.constant 0 : i32
      %dma_start3A_74 = tpu.memref_slice %arg3[%dma_start3A_73, %mul3A_4] : memref<2x401408xi32, #tpu.memory_space<hbm>> -> memref<2x12544xi32, #tpu.memory_space<hbm>>
      tpu.enqueue_dma source(%dma_start3A_74 : memref<2x12544xi32, #tpu.memory_space<hbm>>) target(%arg5 : memref<2x12544xi32, #tpu.memory_space<vmem>>) target_semaphore(%run_scoped3A : memref<!tpu.dma_semaphore, #tpu.memory_space<semaphore_mem>>)
      %dma_wait3A_75 = arith.constant 0 : i32
      %dma_wait3A_76 = tpu.memref_slice %arg3[%dma_wait3A_75, %mul3A_4] : memref<2x401408xi32, #tpu.memory_space<hbm>> -> memref<2x12544xi32, #tpu.memory_space<hbm>>
      %dma_wait3A_77 = arith.constant 0 : i32
      %dma_wait3A_78 = tpu.memref_slice %arg3[%dma_wait3A_77, %mul3A_4] : memref<2x401408xi32, #tpu.memory_space<hbm>> -> memref<2x12544xi32, #tpu.memory_space<hbm>>
      tpu.wait_dma2 semaphore(%run_scoped3A : memref<!tpu.dma_semaphore, #tpu.memory_space<semaphore_mem>>) src(%dma_wait3A_78 : memref<2x12544xi32, #tpu.memory_space<hbm>>) dst(%arg5 : memref<2x12544xi32, #tpu.memory_space<vmem>>)
      tpu.yield
    }) : () -> ()
    %scan3A = arith.constant 0 : i32
    %scan3A_5 = arith.constant 196 : i32
    %scan3A_6 = arith.addi %scan3A, %scan3A_5 : i32
    %scan3A_7 = arith.constant 1 : i32
    scf.for %scan3A_71 = %scan3A to %scan3A_6 step %scan3A_7  : i32 {
      %mul3A_72 = arith.constant 1 : i32
      %mul3A_73 = arith.muli %scan3A_71, %mul3A_72 : i32
      %add3A_74 = arith.constant 0 : i32
      %add3A_75 = arith.addi %add3A_74, %mul3A_73 : i32
      %mul3A_76 = arith.constant 128 : i32
      %mul3A_77 = arith.muli %add3A_75, %mul3A_76 : i32
      %add3A_78 = arith.constant 0 : i32
      %add3A_79 = arith.addi %mul3A_77, %add3A_78 : i32
      %iota3A = tpu.iota {dimensions = array<i32: 0>} : vector<16xi32>
      %mul3A_80 = arith.constant 2 : i32
      %mul3A_81 = vector.broadcast %mul3A_80 : i32 to vector<16xi32>
      %mul3A_82 = arith.muli %iota3A, %mul3A_81 : vector<16xi32>
      %add3A_83 = vector.broadcast %add3A_79 : i32 to vector<16xi32>
      %add3A_84 = arith.addi %add3A_83, %mul3A_82 : vector<16xi32>
      %mul3A_85 = arith.constant 64 : i32
      %mul3A_86 = arith.muli %add3A_75, %mul3A_85 : i32
      %add3A_87 = arith.constant 0 : i32
      %add3A_88 = arith.addi %mul3A_86, %add3A_87 : i32
      %get3A = arith.constant 0 : i32
      %get3A_89 = arith.constant 0 : i32
      %get3A_90 = tpu.memref_slice %arg5[%get3A, %get3A_89] : memref<2x12544xi32, #tpu.memory_space<vmem>> -> memref<1x12544xi32, #tpu.memory_space<vmem>>
      %get3A_91 = tpu.memref_squeeze %get3A_90 : memref<1x12544xi32, #tpu.memory_space<vmem>> -> memref<12544xi32, #tpu.memory_space<vmem>>
      %get3A_92 = arith.index_cast %add3A_88 : i32 to index
      %get3A_93 = tpu.vector_load %get3A_91[%get3A_92] {strides = array<i32>} : memref<12544xi32, #tpu.memory_space<vmem>>, vector<16xi32>,
      tpu.vector_store_idx %arg6[%add3A_84], %get3A_93 : memref<25088xi32, #tpu.memory_space<vmem>>[vector<16xi32>], vector<16xi32>,
      %add3A_94 = arith.constant 1 : i32
      %add3A_95 = vector.broadcast %add3A_94 : i32 to vector<16xi32>
      %add3A_96 = arith.addi %add3A_84, %add3A_95 : vector<16xi32>
      %mul3A_97 = arith.constant 64 : i32
      %mul3A_98 = arith.muli %add3A_75, %mul3A_97 : i32
      %add3A_99 = arith.constant 0 : i32
      %add3A_100 = arith.addi %mul3A_98, %add3A_99 : i32
      %get3A_101 = arith.constant 1 : i32
      %get3A_102 = arith.constant 0 : i32
      %get3A_103 = tpu.memref_slice %arg5[%get3A_101, %get3A_102] : memref<2x12544xi32, #tpu.memory_space<vmem>> -> memref<1x12544xi32, #tpu.memory_space<vmem>>
      %get3A_104 = tpu.memref_squeeze %get3A_103 : memref<1x12544xi32, #tpu.memory_space<vmem>> -> memref<12544xi32, #tpu.memory_space<vmem>>
      %get3A_105 = arith.index_cast %add3A_100 : i32 to index
      %get3A_106 = tpu.vector_load %get3A_104[%get3A_105] {strides = array<i32>} : memref<12544xi32, #tpu.memory_space<vmem>>, vector<16xi32>,
      tpu.vector_store_idx %arg6[%add3A_96], %get3A_106 : memref<25088xi32, #tpu.memory_space<vmem>>[vector<16xi32>], vector<16xi32>,
      %mul3A_107 = arith.constant 128 : i32
      %mul3A_108 = arith.muli %add3A_75, %mul3A_107 : i32
      %add3A_109 = arith.constant 32 : i32
      %add3A_110 = arith.addi %mul3A_108, %add3A_109 : i32
      %iota3A_111 = tpu.iota {dimensions = array<i32: 0>} : vector<16xi32>
      %mul3A_112 = arith.constant 2 : i32
      %mul3A_113 = vector.broadcast %mul3A_112 : i32 to vector<16xi32>
      %mul3A_114 = arith.muli %iota3A_111, %mul3A_113 : vector<16xi32>
      %add3A_115 = vector.broadcast %add3A_110 : i32 to vector<16xi32>
      %add3A_116 = arith.addi %add3A_115, %mul3A_114 : vector<16xi32>
      %mul3A_117 = arith.constant 64 : i32
      %mul3A_118 = arith.muli %add3A_75, %mul3A_117 : i32
      %add3A_119 = arith.constant 16 : i32
      %add3A_120 = arith.addi %mul3A_118, %add3A_119 : i32
      %get3A_121 = arith.constant 0 : i32
      %get3A_122 = arith.constant 0 : i32
      %get3A_123 = tpu.memref_slice %arg5[%get3A_121, %get3A_122] : memref<2x12544xi32, #tpu.memory_space<vmem>> -> memref<1x12544xi32, #tpu.memory_space<vmem>>
      %get3A_124 = tpu.memref_squeeze %get3A_123 : memref<1x12544xi32, #tpu.memory_space<vmem>> -> memref<12544xi32, #tpu.memory_space<vmem>>
      %get3A_125 = arith.index_cast %add3A_120 : i32 to index
      %get3A_126 = tpu.vector_load %get3A_124[%get3A_125] {strides = array<i32>} : memref<12544xi32, #tpu.memory_space<vmem>>, vector<16xi32>,
      tpu.vector_store_idx %arg6[%add3A_116], %get3A_126 : memref<25088xi32, #tpu.memory_space<vmem>>[vector<16xi32>], vector<16xi32>,
      %add3A_127 = arith.constant 1 : i32
      %add3A_128 = vector.broadcast %add3A_127 : i32 to vector<16xi32>
      %add3A_129 = arith.addi %add3A_116, %add3A_128 : vector<16xi32>
      %mul3A_130 = arith.constant 64 : i32
      %mul3A_131 = arith.muli %add3A_75, %mul3A_130 : i32
      %add3A_132 = arith.constant 16 : i32
      %add3A_133 = arith.addi %mul3A_131, %add3A_132 : i32
      %get3A_134 = arith.constant 1 : i32
      %get3A_135 = arith.constant 0 : i32
      %get3A_136 = tpu.memref_slice %arg5[%get3A_134, %get3A_135] : memref<2x12544xi32, #tpu.memory_space<vmem>> -> memref<1x12544xi32, #tpu.memory_space<vmem>>
      %get3A_137 = tpu.memref_squeeze %get3A_136 : memref<1x12544xi32, #tpu.memory_space<vmem>> -> memref<12544xi32, #tpu.memory_space<vmem>>
      %get3A_138 = arith.index_cast %add3A_133 : i32 to index
      %get3A_139 = tpu.vector_load %get3A_137[%get3A_138] {strides = array<i32>} : memref<12544xi32, #tpu.memory_space<vmem>>, vector<16xi32>,
      tpu.vector_store_idx %arg6[%add3A_129], %get3A_139 : memref<25088xi32, #tpu.memory_space<vmem>>[vector<16xi32>], vector<16xi32>,
      %mul3A_140 = arith.constant 128 : i32
      %mul3A_141 = arith.muli %add3A_75, %mul3A_140 : i32
      %add3A_142 = arith.constant 64 : i32
      %add3A_143 = arith.addi %mul3A_141, %add3A_142 : i32
      %iota3A_144 = tpu.iota {dimensions = array<i32: 0>} : vector<16xi32>
      %mul3A_145 = arith.constant 2 : i32
      %mul3A_146 = vector.broadcast %mul3A_145 : i32 to vector<16xi32>
      %mul3A_147 = arith.muli %iota3A_144, %mul3A_146 : vector<16xi32>
      %add3A_148 = vector.broadcast %add3A_143 : i32 to vector<16xi32>
      %add3A_149 = arith.addi %add3A_148, %mul3A_147 : vector<16xi32>
      %mul3A_150 = arith.constant 64 : i32
      %mul3A_151 = arith.muli %add3A_75, %mul3A_150 : i32
      %add3A_152 = arith.constant 32 : i32
      %add3A_153 = arith.addi %mul3A_151, %add3A_152 : i32
      %get3A_154 = arith.constant 0 : i32
      %get3A_155 = arith.constant 0 : i32
      %get3A_156 = tpu.memref_slice %arg5[%get3A_154, %get3A_155] : memref<2x12544xi32, #tpu.memory_space<vmem>> -> memref<1x12544xi32, #tpu.memory_space<vmem>>
      %get3A_157 = tpu.memref_squeeze %get3A_156 : memref<1x12544xi32, #tpu.memory_space<vmem>> -> memref<12544xi32, #tpu.memory_space<vmem>>
      %get3A_158 = arith.index_cast %add3A_153 : i32 to index
      %get3A_159 = tpu.vector_load %get3A_157[%get3A_158] {strides = array<i32>} : memref<12544xi32, #tpu.memory_space<vmem>>, vector<16xi32>,
      tpu.vector_store_idx %arg6[%add3A_149], %get3A_159 : memref<25088xi32, #tpu.memory_space<vmem>>[vector<16xi32>], vector<16xi32>,
      %add3A_160 = arith.constant 1 : i32
      %add3A_161 = vector.broadcast %add3A_160 : i32 to vector<16xi32>
      %add3A_162 = arith.addi %add3A_149, %add3A_161 : vector<16xi32>
      %mul3A_163 = arith.constant 64 : i32
      %mul3A_164 = arith.muli %add3A_75, %mul3A_163 : i32
      %add3A_165 = arith.constant 32 : i32
      %add3A_166 = arith.addi %mul3A_164, %add3A_165 : i32
      %get3A_167 = arith.constant 1 : i32
      %get3A_168 = arith.constant 0 : i32
      %get3A_169 = tpu.memref_slice %arg5[%get3A_167, %get3A_168] : memref<2x12544xi32, #tpu.memory_space<vmem>> -> memref<1x12544xi32, #tpu.memory_space<vmem>>
      %get3A_170 = tpu.memref_squeeze %get3A_169 : memref<1x12544xi32, #tpu.memory_space<vmem>> -> memref<12544xi32, #tpu.memory_space<vmem>>
      %get3A_171 = arith.index_cast %add3A_166 : i32 to index
      %get3A_172 = tpu.vector_load %get3A_170[%get3A_171] {strides = array<i32>} : memref<12544xi32, #tpu.memory_space<vmem>>, vector<16xi32>,
      tpu.vector_store_idx %arg6[%add3A_162], %get3A_172 : memref<25088xi32, #tpu.memory_space<vmem>>[vector<16xi32>], vector<16xi32>,
      %mul3A_173 = arith.constant 128 : i32
      %mul3A_174 = arith.muli %add3A_75, %mul3A_173 : i32
      %add3A_175 = arith.constant 96 : i32
      %add3A_176 = arith.addi %mul3A_174, %add3A_175 : i32
      %iota3A_177 = tpu.iota {dimensions = array<i32: 0>} : vector<16xi32>
      %mul3A_178 = arith.constant 2 : i32
      %mul3A_179 = vector.broadcast %mul3A_178 : i32 to vector<16xi32>
      %mul3A_180 = arith.muli %iota3A_177, %mul3A_179 : vector<16xi32>
      %add3A_181 = vector.broadcast %add3A_176 : i32 to vector<16xi32>
      %add3A_182 = arith.addi %add3A_181, %mul3A_180 : vector<16xi32>
      %mul3A_183 = arith.constant 64 : i32
      %mul3A_184 = arith.muli %add3A_75, %mul3A_183 : i32
      %add3A_185 = arith.constant 48 : i32
      %add3A_186 = arith.addi %mul3A_184, %add3A_185 : i32
      %get3A_187 = arith.constant 0 : i32
      %get3A_188 = arith.constant 0 : i32
      %get3A_189 = tpu.memref_slice %arg5[%get3A_187, %get3A_188] : memref<2x12544xi32, #tpu.memory_space<vmem>> -> memref<1x12544xi32, #tpu.memory_space<vmem>>
      %get3A_190 = tpu.memref_squeeze %get3A_189 : memref<1x12544xi32, #tpu.memory_space<vmem>> -> memref<12544xi32, #tpu.memory_space<vmem>>
      %get3A_191 = arith.index_cast %add3A_186 : i32 to index
      %get3A_192 = tpu.vector_load %get3A_190[%get3A_191] {strides = array<i32>} : memref<12544xi32, #tpu.memory_space<vmem>>, vector<16xi32>,
      tpu.vector_store_idx %arg6[%add3A_182], %get3A_192 : memref<25088xi32, #tpu.memory_space<vmem>>[vector<16xi32>], vector<16xi32>,
      %add3A_193 = arith.constant 1 : i32
      %add3A_194 = vector.broadcast %add3A_193 : i32 to vector<16xi32>
      %add3A_195 = arith.addi %add3A_182, %add3A_194 : vector<16xi32>
      %mul3A_196 = arith.constant 64 : i32
      %mul3A_197 = arith.muli %add3A_75, %mul3A_196 : i32
      %add3A_198 = arith.constant 48 : i32
      %add3A_199 = arith.addi %mul3A_197, %add3A_198 : i32
      %get3A_200 = arith.constant 1 : i32
      %get3A_201 = arith.constant 0 : i32
      %get3A_202 = tpu.memref_slice %arg5[%get3A_200, %get3A_201] : memref<2x12544xi32, #tpu.memory_space<vmem>> -> memref<1x12544xi32, #tpu.memory_space<vmem>>
      %get3A_203 = tpu.memref_squeeze %get3A_202 : memref<1x12544xi32, #tpu.memory_space<vmem>> -> memref<12544xi32, #tpu.memory_space<vmem>>
      %get3A_204 = arith.index_cast %add3A_199 : i32 to index
      %get3A_205 = tpu.vector_load %get3A_203[%get3A_204] {strides = array<i32>} : memref<12544xi32, #tpu.memory_space<vmem>>, vector<16xi32>,
      tpu.vector_store_idx %arg6[%add3A_195], %get3A_205 : memref<25088xi32, #tpu.memory_space<vmem>>[vector<16xi32>], vector<16xi32>,
    }
    %scan3A_8 = arith.constant 196 : i32
    %dma_start3A = arith.constant 0 : i32
    %dma_start3A_9 = arith.constant 0 : i32
    %dma_start3A_10 = arith.constant 0 : i32
    %dma_start3A_11 = arith.constant 0 : i32
    %dma_start3A_12 = tpu.memref_slice %arg7[%dma_start3A, %dma_start3A_10, %dma_start3A_11] : memref<4x128x64xf32, #tpu.memory_space<vmem>> -> memref<1x128x64xf32, #tpu.memory_space<vmem>>
    %dma_start3A_13 = tpu.memref_squeeze %dma_start3A_12 : memref<1x128x64xf32, #tpu.memory_space<vmem>> -> memref<128x64xf32, #tpu.memory_space<vmem>>
    %dma_start3A_14 = arith.constant 0 : i32
    %dma_start3A_15 = tpu.memref_slice %arg6[%dma_start3A_14] : memref<25088xi32, #tpu.memory_space<vmem>> -> memref<128xi32, #tpu.memory_space<vmem>>
    %dma_start3A_16 = arith.constant 0 : i32
    %dma_start3A_17 = arith.constant 0 : i32
    %dma_start3A_18 = tpu.memref_slice %arg2[%dma_start3A_16, %dma_start3A_17] : memref<50000x64xf32, #tpu.memory_space<hbm>> -> memref<50000x64xf32, #tpu.memory_space<hbm>>
    %dma_start3A_19 = tpu.memref_slice %arg8[%dma_start3A_9] : memref<4x!tpu.dma_semaphore, #tpu.memory_space<semaphore_mem>> -> memref<1x!tpu.dma_semaphore, #tpu.memory_space<semaphore_mem>>
    %dma_start3A_20 = tpu.memref_squeeze %dma_start3A_19 : memref<1x!tpu.dma_semaphore, #tpu.memory_space<semaphore_mem>> -> memref<!tpu.dma_semaphore, #tpu.memory_space<semaphore_mem>>
    tpu.enqueue_indirect_dma source(%dma_start3A_18 : memref<50000x64xf32, #tpu.memory_space<hbm>>) target(%dma_start3A_13 : memref<128x64xf32, #tpu.memory_space<vmem>>) offsets(%dma_start3A_15 : memref<128xi32, #tpu.memory_space<vmem>>) semaphore(%dma_start3A_20 : memref<!tpu.dma_semaphore, #tpu.memory_space<semaphore_mem>>)
    %dma_start3A_21 = arith.constant 1 : i32
    %dma_start3A_22 = arith.constant 1 : i32
    %dma_start3A_23 = arith.constant 0 : i32
    %dma_start3A_24 = arith.constant 0 : i32
    %dma_start3A_25 = tpu.memref_slice %arg7[%dma_start3A_21, %dma_start3A_23, %dma_start3A_24] : memref<4x128x64xf32, #tpu.memory_space<vmem>> -> memref<1x128x64xf32, #tpu.memory_space<vmem>>
    %dma_start3A_26 = tpu.memref_squeeze %dma_start3A_25 : memref<1x128x64xf32, #tpu.memory_space<vmem>> -> memref<128x64xf32, #tpu.memory_space<vmem>>
    %dma_start3A_27 = arith.constant 128 : i32
    %dma_start3A_28 = tpu.memref_slice %arg6[%dma_start3A_27] : memref<25088xi32, #tpu.memory_space<vmem>> -> memref<128xi32, #tpu.memory_space<vmem>>
    %dma_start3A_29 = arith.constant 0 : i32
    %dma_start3A_30 = arith.constant 0 : i32
    %dma_start3A_31 = tpu.memref_slice %arg2[%dma_start3A_29, %dma_start3A_30] : memref<50000x64xf32, #tpu.memory_space<hbm>> -> memref<50000x64xf32, #tpu.memory_space<hbm>>
    %dma_start3A_32 = tpu.memref_slice %arg8[%dma_start3A_22] : memref<4x!tpu.dma_semaphore, #tpu.memory_space<semaphore_mem>> -> memref<1x!tpu.dma_semaphore, #tpu.memory_space<semaphore_mem>>
    %dma_start3A_33 = tpu.memref_squeeze %dma_start3A_32 : memref<1x!tpu.dma_semaphore, #tpu.memory_space<semaphore_mem>> -> memref<!tpu.dma_semaphore, #tpu.memory_space<semaphore_mem>>
    tpu.enqueue_indirect_dma source(%dma_start3A_31 : memref<50000x64xf32, #tpu.memory_space<hbm>>) target(%dma_start3A_26 : memref<128x64xf32, #tpu.memory_space<vmem>>) offsets(%dma_start3A_28 : memref<128xi32, #tpu.memory_space<vmem>>) semaphore(%dma_start3A_33 : memref<!tpu.dma_semaphore, #tpu.memory_space<semaphore_mem>>)
    %dma_start3A_34 = arith.constant 2 : i32
    %dma_start3A_35 = arith.constant 2 : i32
    %dma_start3A_36 = arith.constant 0 : i32
    %dma_start3A_37 = arith.constant 0 : i32
    %dma_start3A_38 = tpu.memref_slice %arg7[%dma_start3A_34, %dma_start3A_36, %dma_start3A_37] : memref<4x128x64xf32, #tpu.memory_space<vmem>> -> memref<1x128x64xf32, #tpu.memory_space<vmem>>
    %dma_start3A_39 = tpu.memref_squeeze %dma_start3A_38 : memref<1x128x64xf32, #tpu.memory_space<vmem>> -> memref<128x64xf32, #tpu.memory_space<vmem>>
    %dma_start3A_40 = arith.constant 256 : i32
    %dma_start3A_41 = tpu.memref_slice %arg6[%dma_start3A_40] : memref<25088xi32, #tpu.memory_space<vmem>> -> memref<128xi32, #tpu.memory_space<vmem>>
    %dma_start3A_42 = arith.constant 0 : i32
    %dma_start3A_43 = arith.constant 0 : i32
    %dma_start3A_44 = tpu.memref_slice %arg2[%dma_start3A_42, %dma_start3A_43] : memref<50000x64xf32, #tpu.memory_space<hbm>> -> memref<50000x64xf32, #tpu.memory_space<hbm>>
    %dma_start3A_45 = tpu.memref_slice %arg8[%dma_start3A_35] : memref<4x!tpu.dma_semaphore, #tpu.memory_space<semaphore_mem>> -> memref<1x!tpu.dma_semaphore, #tpu.memory_space<semaphore_mem>>
    %dma_start3A_46 = tpu.memref_squeeze %dma_start3A_45 : memref<1x!tpu.dma_semaphore, #tpu.memory_space<semaphore_mem>> -> memref<!tpu.dma_semaphore, #tpu.memory_space<semaphore_mem>>
    tpu.enqueue_indirect_dma source(%dma_start3A_44 : memref<50000x64xf32, #tpu.memory_space<hbm>>) target(%dma_start3A_39 : memref<128x64xf32, #tpu.memory_space<vmem>>) offsets(%dma_start3A_41 : memref<128xi32, #tpu.memory_space<vmem>>) semaphore(%dma_start3A_46 : memref<!tpu.dma_semaphore, #tpu.memory_space<semaphore_mem>>)
    %scan3A_47 = arith.constant 0 : i32
    %scan3A_48 = arith.constant 49 : i32
    %scan3A_49 = arith.addi %scan3A_47, %scan3A_48 : i32
    %scan3A_50 = arith.constant 1 : i32
    scf.for %scan3A_71 = %scan3A_47 to %scan3A_49 step %scan3A_50  : i32 {
      %mul3A_72 = arith.constant 4 : i32
      %mul3A_73 = arith.muli %scan3A_71, %mul3A_72 : i32
      %add3A_74 = arith.constant 0 : i32
      %add3A_75 = arith.addi %add3A_74, %mul3A_73 : i32
      %add3A_76 = arith.constant 0 : i32
      %add3A_77 = arith.addi %add3A_75, %add3A_76 : i32
      %mul3A_78 = arith.constant 128 : i32
      %mul3A_79 = arith.muli %add3A_77, %mul3A_78 : i32
      %dma_wait3A_80 = arith.constant 0 : i32
      %dma_wait3A_81 = arith.constant 0 : i32
      %dma_wait3A_82 = arith.constant 0 : i32
      %dma_wait3A_83 = arith.constant 0 : i32
      %dma_wait3A_84 = tpu.memref_slice %arg7[%dma_wait3A_80, %dma_wait3A_82, %dma_wait3A_83] : memref<4x128x64xf32, #tpu.memory_space<vmem>> -> memref<1x128x64xf32, #tpu.memory_space<vmem>>
      %dma_wait3A_85 = tpu.memref_squeeze %dma_wait3A_84 : memref<1x128x64xf32, #tpu.memory_space<vmem>> -> memref<128x64xf32, #tpu.memory_space<vmem>>
      %dma_wait3A_86 = tpu.memref_slice %arg6[%mul3A_79] : memref<25088xi32, #tpu.memory_space<vmem>> -> memref<128xi32, #tpu.memory_space<vmem>>
      %dma_wait3A_87 = arith.constant 0 : i32
      %dma_wait3A_88 = arith.constant 0 : i32
      %dma_wait3A_89 = tpu.memref_slice %arg2[%dma_wait3A_87, %dma_wait3A_88] : memref<50000x64xf32, #tpu.memory_space<hbm>> -> memref<50000x64xf32, #tpu.memory_space<hbm>>
      %dma_wait3A_90 = tpu.memref_slice %arg8[%dma_wait3A_81] : memref<4x!tpu.dma_semaphore, #tpu.memory_space<semaphore_mem>> -> memref<1x!tpu.dma_semaphore, #tpu.memory_space<semaphore_mem>>
      %dma_wait3A_91 = tpu.memref_squeeze %dma_wait3A_90 : memref<1x!tpu.dma_semaphore, #tpu.memory_space<semaphore_mem>> -> memref<!tpu.dma_semaphore, #tpu.memory_space<semaphore_mem>>
      tpu.wait_indirect_dma semaphore(%dma_wait3A_91 : memref<!tpu.dma_semaphore, #tpu.memory_space<semaphore_mem>>) src(%dma_wait3A_89 : memref<50000x64xf32, #tpu.memory_space<hbm>>) dst(%dma_wait3A_85 : memref<128x64xf32, #tpu.memory_space<vmem>>)
      %add3A_92 = arith.addi %mul3A_2, %add3A_77 : i32
      %mul3A_93 = arith.constant 128 : i32
      %mul3A_94 = arith.muli %add3A_92, %mul3A_93 : i32
      %dma_start3A_95 = arith.constant 0 : i32
      %dma_start3A_96 = arith.constant 0 : i32
      %dma_start3A_97 = arith.constant 0 : i32
      %dma_start3A_98 = arith.constant 0 : i32
      %dma_start3A_99 = tpu.memref_slice %arg7[%dma_start3A_95, %dma_start3A_97, %dma_start3A_98] : memref<4x128x64xf32, #tpu.memory_space<vmem>> -> memref<1x128x64xf32, #tpu.memory_space<vmem>>
      %dma_start3A_100 = tpu.memref_squeeze %dma_start3A_99 : memref<1x128x64xf32, #tpu.memory_space<vmem>> -> memref<128x64xf32, #tpu.memory_space<vmem>>
      %dma_start3A_101 = arith.constant 0 : i32
      %dma_start3A_102 = tpu.memref_slice %arg4[%mul3A_94, %dma_start3A_101] : memref<802816x64xf32, #tpu.memory_space<hbm>> -> memref<128x64xf32, #tpu.memory_space<hbm>>
      %dma_start3A_103 = tpu.memref_slice %arg9[%dma_start3A_96] : memref<4x!tpu.dma_semaphore, #tpu.memory_space<semaphore_mem>> -> memref<1x!tpu.dma_semaphore, #tpu.memory_space<semaphore_mem>>
      %dma_start3A_104 = tpu.memref_squeeze %dma_start3A_103 : memref<1x!tpu.dma_semaphore, #tpu.memory_space<semaphore_mem>> -> memref<!tpu.dma_semaphore, #tpu.memory_space<semaphore_mem>>
      %dma_start3A_105 = arith.constant 0 : i32
      %dma_start3A_106 = tpu.memref_slice %arg4[%mul3A_94, %dma_start3A_105] : memref<802816x64xf32, #tpu.memory_space<hbm>> -> memref<128x64xf32, #tpu.memory_space<hbm>>
      %dma_start3A_107 = arith.constant 0 : i32
      %dma_start3A_108 = arith.constant 0 : i32
      %dma_start3A_109 = tpu.memref_slice %arg7[%dma_start3A_95, %dma_start3A_107, %dma_start3A_108] : memref<4x128x64xf32, #tpu.memory_space<vmem>> -> memref<1x128x64xf32, #tpu.memory_space<vmem>>
      %dma_start3A_110 = tpu.memref_squeeze %dma_start3A_109 : memref<1x128x64xf32, #tpu.memory_space<vmem>> -> memref<128x64xf32, #tpu.memory_space<vmem>>
      tpu.enqueue_dma source(%dma_start3A_110 : memref<128x64xf32, #tpu.memory_space<vmem>>) target(%dma_start3A_106 : memref<128x64xf32, #tpu.memory_space<hbm>>) target_semaphore(%dma_start3A_104 : memref<!tpu.dma_semaphore, #tpu.memory_space<semaphore_mem>>)
      %ge3A = arith.constant 1 : i32
      %ge3A_111 = arith.cmpi sge, %add3A_77, %ge3A : i32
      %convert_element_type3A = arith.extui %ge3A_111 : i1 to i32
      %cond3A = arith.constant 0 : i32
      %cond3A_112 = arith.cmpi ne, %convert_element_type3A, %cond3A : i32
      scf.if %cond3A_112 {
        %sub3A = arith.constant 1 : i32
        %sub3A_260 = arith.subi %add3A_77, %sub3A : i32
        %add3A_261 = arith.addi %mul3A_2, %sub3A_260 : i32
        %mul3A_262 = arith.constant 128 : i32
        %mul3A_263 = arith.muli %add3A_261, %mul3A_262 : i32
        %dma_wait3A_264 = arith.constant 3 : i32
        %dma_wait3A_265 = arith.constant 3 : i32
        %dma_wait3A_266 = arith.constant 0 : i32
        %dma_wait3A_267 = arith.constant 0 : i32
        %dma_wait3A_268 = tpu.memref_slice %arg7[%dma_wait3A_264, %dma_wait3A_266, %dma_wait3A_267] : memref<4x128x64xf32, #tpu.memory_space<vmem>> -> memref<1x128x64xf32, #tpu.memory_space<vmem>>
        %dma_wait3A_269 = tpu.memref_squeeze %dma_wait3A_268 : memref<1x128x64xf32, #tpu.memory_space<vmem>> -> memref<128x64xf32, #tpu.memory_space<vmem>>
        %dma_wait3A_270 = arith.constant 0 : i32
        %dma_wait3A_271 = tpu.memref_slice %arg4[%mul3A_263, %dma_wait3A_270] : memref<802816x64xf32, #tpu.memory_space<hbm>> -> memref<128x64xf32, #tpu.memory_space<hbm>>
        %dma_wait3A_272 = tpu.memref_slice %arg9[%dma_wait3A_265] : memref<4x!tpu.dma_semaphore, #tpu.memory_space<semaphore_mem>> -> memref<1x!tpu.dma_semaphore, #tpu.memory_space<semaphore_mem>>
        %dma_wait3A_273 = tpu.memref_squeeze %dma_wait3A_272 : memref<1x!tpu.dma_semaphore, #tpu.memory_space<semaphore_mem>> -> memref<!tpu.dma_semaphore, #tpu.memory_space<semaphore_mem>>
        %dma_wait3A_274 = arith.constant 0 : i32
        %dma_wait3A_275 = tpu.memref_slice %arg4[%mul3A_263, %dma_wait3A_274] : memref<802816x64xf32, #tpu.memory_space<hbm>> -> memref<128x64xf32, #tpu.memory_space<hbm>>
        %dma_wait3A_276 = arith.constant 0 : i32
        %dma_wait3A_277 = arith.constant 0 : i32
        %dma_wait3A_278 = tpu.memref_slice %arg7[%dma_wait3A_264, %dma_wait3A_276, %dma_wait3A_277] : memref<4x128x64xf32, #tpu.memory_space<vmem>> -> memref<1x128x64xf32, #tpu.memory_space<vmem>>
        %dma_wait3A_279 = tpu.memref_squeeze %dma_wait3A_278 : memref<1x128x64xf32, #tpu.memory_space<vmem>> -> memref<128x64xf32, #tpu.memory_space<vmem>>
        tpu.wait_dma2 semaphore(%dma_wait3A_273 : memref<!tpu.dma_semaphore, #tpu.memory_space<semaphore_mem>>) src(%dma_wait3A_279 : memref<128x64xf32, #tpu.memory_space<vmem>>) dst(%dma_wait3A_275 : memref<128x64xf32, #tpu.memory_space<hbm>>)
      } else {
      }
      %add3A_113 = arith.constant 3 : i32
      %add3A_114 = arith.addi %add3A_77, %add3A_113 : i32
      %lt3A = arith.constant 196 : i32
      %lt3A_115 = arith.cmpi slt, %add3A_114, %lt3A : i32
      %convert_element_type3A_116 = arith.extui %lt3A_115 : i1 to i32
      %cond3A_117 = arith.constant 0 : i32
      %cond3A_118 = arith.cmpi ne, %convert_element_type3A_116, %cond3A_117 : i32
      scf.if %cond3A_118 {
        %add3A_260 = arith.constant 3 : i32
        %add3A_261 = arith.addi %add3A_77, %add3A_260 : i32
        %mul3A_262 = arith.constant 128 : i32
        %mul3A_263 = arith.muli %add3A_261, %mul3A_262 : i32
        %dma_start3A_264 = arith.constant 3 : i32
        %dma_start3A_265 = arith.constant 3 : i32
        %dma_start3A_266 = arith.constant 0 : i32
        %dma_start3A_267 = arith.constant 0 : i32
        %dma_start3A_268 = tpu.memref_slice %arg7[%dma_start3A_264, %dma_start3A_266, %dma_start3A_267] : memref<4x128x64xf32, #tpu.memory_space<vmem>> -> memref<1x128x64xf32, #tpu.memory_space<vmem>>
        %dma_start3A_269 = tpu.memref_squeeze %dma_start3A_268 : memref<1x128x64xf32, #tpu.memory_space<vmem>> -> memref<128x64xf32, #tpu.memory_space<vmem>>
        %dma_start3A_270 = tpu.memref_slice %arg6[%mul3A_263] : memref<25088xi32, #tpu.memory_space<vmem>> -> memref<128xi32, #tpu.memory_space<vmem>>
        %dma_start3A_271 = arith.constant 0 : i32
        %dma_start3A_272 = arith.constant 0 : i32
        %dma_start3A_273 = tpu.memref_slice %arg2[%dma_start3A_271, %dma_start3A_272] : memref<50000x64xf32, #tpu.memory_space<hbm>> -> memref<50000x64xf32, #tpu.memory_space<hbm>>
        %dma_start3A_274 = tpu.memref_slice %arg8[%dma_start3A_265] : memref<4x!tpu.dma_semaphore, #tpu.memory_space<semaphore_mem>> -> memref<1x!tpu.dma_semaphore, #tpu.memory_space<semaphore_mem>>
        %dma_start3A_275 = tpu.memref_squeeze %dma_start3A_274 : memref<1x!tpu.dma_semaphore, #tpu.memory_space<semaphore_mem>> -> memref<!tpu.dma_semaphore, #tpu.memory_space<semaphore_mem>>
        tpu.enqueue_indirect_dma source(%dma_start3A_273 : memref<50000x64xf32, #tpu.memory_space<hbm>>) target(%dma_start3A_269 : memref<128x64xf32, #tpu.memory_space<vmem>>) offsets(%dma_start3A_270 : memref<128xi32, #tpu.memory_space<vmem>>) semaphore(%dma_start3A_275 : memref<!tpu.dma_semaphore, #tpu.memory_space<semaphore_mem>>)
      } else {
      }
      %add3A_119 = arith.constant 1 : i32
      %add3A_120 = arith.addi %add3A_75, %add3A_119 : i32
      %mul3A_121 = arith.constant 128 : i32
      %mul3A_122 = arith.muli %add3A_120, %mul3A_121 : i32
      %dma_wait3A_123 = arith.constant 1 : i32
      %dma_wait3A_124 = arith.constant 1 : i32
      %dma_wait3A_125 = arith.constant 0 : i32
      %dma_wait3A_126 = arith.constant 0 : i32
      %dma_wait3A_127 = tpu.memref_slice %arg7[%dma_wait3A_123, %dma_wait3A_125, %dma_wait3A_126] : memref<4x128x64xf32, #tpu.memory_space<vmem>> -> memref<1x128x64xf32, #tpu.memory_space<vmem>>
      %dma_wait3A_128 = tpu.memref_squeeze %dma_wait3A_127 : memref<1x128x64xf32, #tpu.memory_space<vmem>> -> memref<128x64xf32, #tpu.memory_space<vmem>>
      %dma_wait3A_129 = tpu.memref_slice %arg6[%mul3A_122] : memref<25088xi32, #tpu.memory_space<vmem>> -> memref<128xi32, #tpu.memory_space<vmem>>
      %dma_wait3A_130 = arith.constant 0 : i32
      %dma_wait3A_131 = arith.constant 0 : i32
      %dma_wait3A_132 = tpu.memref_slice %arg2[%dma_wait3A_130, %dma_wait3A_131] : memref<50000x64xf32, #tpu.memory_space<hbm>> -> memref<50000x64xf32, #tpu.memory_space<hbm>>
      %dma_wait3A_133 = tpu.memref_slice %arg8[%dma_wait3A_124] : memref<4x!tpu.dma_semaphore, #tpu.memory_space<semaphore_mem>> -> memref<1x!tpu.dma_semaphore, #tpu.memory_space<semaphore_mem>>
      %dma_wait3A_134 = tpu.memref_squeeze %dma_wait3A_133 : memref<1x!tpu.dma_semaphore, #tpu.memory_space<semaphore_mem>> -> memref<!tpu.dma_semaphore, #tpu.memory_space<semaphore_mem>>
      tpu.wait_indirect_dma semaphore(%dma_wait3A_134 : memref<!tpu.dma_semaphore, #tpu.memory_space<semaphore_mem>>) src(%dma_wait3A_132 : memref<50000x64xf32, #tpu.memory_space<hbm>>) dst(%dma_wait3A_128 : memref<128x64xf32, #tpu.memory_space<vmem>>)
      %add3A_135 = arith.addi %mul3A_2, %add3A_120 : i32
      %mul3A_136 = arith.constant 128 : i32
      %mul3A_137 = arith.muli %add3A_135, %mul3A_136 : i32
      %dma_start3A_138 = arith.constant 1 : i32
      %dma_start3A_139 = arith.constant 1 : i32
      %dma_start3A_140 = arith.constant 0 : i32
      %dma_start3A_141 = arith.constant 0 : i32
      %dma_start3A_142 = tpu.memref_slice %arg7[%dma_start3A_138, %dma_start3A_140, %dma_start3A_141] : memref<4x128x64xf32, #tpu.memory_space<vmem>> -> memref<1x128x64xf32, #tpu.memory_space<vmem>>
      %dma_start3A_143 = tpu.memref_squeeze %dma_start3A_142 : memref<1x128x64xf32, #tpu.memory_space<vmem>> -> memref<128x64xf32, #tpu.memory_space<vmem>>
      %dma_start3A_144 = arith.constant 0 : i32
      %dma_start3A_145 = tpu.memref_slice %arg4[%mul3A_137, %dma_start3A_144] : memref<802816x64xf32, #tpu.memory_space<hbm>> -> memref<128x64xf32, #tpu.memory_space<hbm>>
      %dma_start3A_146 = tpu.memref_slice %arg9[%dma_start3A_139] : memref<4x!tpu.dma_semaphore, #tpu.memory_space<semaphore_mem>> -> memref<1x!tpu.dma_semaphore, #tpu.memory_space<semaphore_mem>>
      %dma_start3A_147 = tpu.memref_squeeze %dma_start3A_146 : memref<1x!tpu.dma_semaphore, #tpu.memory_space<semaphore_mem>> -> memref<!tpu.dma_semaphore, #tpu.memory_space<semaphore_mem>>
      %dma_start3A_148 = arith.constant 0 : i32
      %dma_start3A_149 = tpu.memref_slice %arg4[%mul3A_137, %dma_start3A_148] : memref<802816x64xf32, #tpu.memory_space<hbm>> -> memref<128x64xf32, #tpu.memory_space<hbm>>
      %dma_start3A_150 = arith.constant 0 : i32
      %dma_start3A_151 = arith.constant 0 : i32
      %dma_start3A_152 = tpu.memref_slice %arg7[%dma_start3A_138, %dma_start3A_150, %dma_start3A_151] : memref<4x128x64xf32, #tpu.memory_space<vmem>> -> memref<1x128x64xf32, #tpu.memory_space<vmem>>
      %dma_start3A_153 = tpu.memref_squeeze %dma_start3A_152 : memref<1x128x64xf32, #tpu.memory_space<vmem>> -> memref<128x64xf32, #tpu.memory_space<vmem>>
      tpu.enqueue_dma source(%dma_start3A_153 : memref<128x64xf32, #tpu.memory_space<vmem>>) target(%dma_start3A_149 : memref<128x64xf32, #tpu.memory_space<hbm>>) target_semaphore(%dma_start3A_147 : memref<!tpu.dma_semaphore, #tpu.memory_space<semaphore_mem>>)
      %ge3A_154 = arith.constant 1 : i32
      %ge3A_155 = arith.cmpi sge, %add3A_120, %ge3A_154 : i32
      %convert_element_type3A_156 = arith.extui %ge3A_155 : i1 to i32
      %cond3A_157 = arith.constant 0 : i32
      %cond3A_158 = arith.cmpi ne, %convert_element_type3A_156, %cond3A_157 : i32
      scf.if %cond3A_158 {
        %sub3A = arith.constant 1 : i32
        %sub3A_260 = arith.subi %add3A_120, %sub3A : i32
        %add3A_261 = arith.addi %mul3A_2, %sub3A_260 : i32
        %mul3A_262 = arith.constant 128 : i32
        %mul3A_263 = arith.muli %add3A_261, %mul3A_262 : i32
        %dma_wait3A_264 = arith.constant 0 : i32
        %dma_wait3A_265 = arith.constant 0 : i32
        %dma_wait3A_266 = arith.constant 0 : i32
        %dma_wait3A_267 = arith.constant 0 : i32
        %dma_wait3A_268 = tpu.memref_slice %arg7[%dma_wait3A_264, %dma_wait3A_266, %dma_wait3A_267] : memref<4x128x64xf32, #tpu.memory_space<vmem>> -> memref<1x128x64xf32, #tpu.memory_space<vmem>>
        %dma_wait3A_269 = tpu.memref_squeeze %dma_wait3A_268 : memref<1x128x64xf32, #tpu.memory_space<vmem>> -> memref<128x64xf32, #tpu.memory_space<vmem>>
        %dma_wait3A_270 = arith.constant 0 : i32
        %dma_wait3A_271 = tpu.memref_slice %arg4[%mul3A_263, %dma_wait3A_270] : memref<802816x64xf32, #tpu.memory_space<hbm>> -> memref<128x64xf32, #tpu.memory_space<hbm>>
        %dma_wait3A_272 = tpu.memref_slice %arg9[%dma_wait3A_265] : memref<4x!tpu.dma_semaphore, #tpu.memory_space<semaphore_mem>> -> memref<1x!tpu.dma_semaphore, #tpu.memory_space<semaphore_mem>>
        %dma_wait3A_273 = tpu.memref_squeeze %dma_wait3A_272 : memref<1x!tpu.dma_semaphore, #tpu.memory_space<semaphore_mem>> -> memref<!tpu.dma_semaphore, #tpu.memory_space<semaphore_mem>>
        %dma_wait3A_274 = arith.constant 0 : i32
        %dma_wait3A_275 = tpu.memref_slice %arg4[%mul3A_263, %dma_wait3A_274] : memref<802816x64xf32, #tpu.memory_space<hbm>> -> memref<128x64xf32, #tpu.memory_space<hbm>>
        %dma_wait3A_276 = arith.constant 0 : i32
        %dma_wait3A_277 = arith.constant 0 : i32
        %dma_wait3A_278 = tpu.memref_slice %arg7[%dma_wait3A_264, %dma_wait3A_276, %dma_wait3A_277] : memref<4x128x64xf32, #tpu.memory_space<vmem>> -> memref<1x128x64xf32, #tpu.memory_space<vmem>>
        %dma_wait3A_279 = tpu.memref_squeeze %dma_wait3A_278 : memref<1x128x64xf32, #tpu.memory_space<vmem>> -> memref<128x64xf32, #tpu.memory_space<vmem>>
        tpu.wait_dma2 semaphore(%dma_wait3A_273 : memref<!tpu.dma_semaphore, #tpu.memory_space<semaphore_mem>>) src(%dma_wait3A_279 : memref<128x64xf32, #tpu.memory_space<vmem>>) dst(%dma_wait3A_275 : memref<128x64xf32, #tpu.memory_space<hbm>>)
      } else {
      }
      %add3A_159 = arith.constant 3 : i32
      %add3A_160 = arith.addi %add3A_120, %add3A_159 : i32
      %lt3A_161 = arith.constant 196 : i32
      %lt3A_162 = arith.cmpi slt, %add3A_160, %lt3A_161 : i32
      %convert_element_type3A_163 = arith.extui %lt3A_162 : i1 to i32
      %cond3A_164 = arith.constant 0 : i32
      %cond3A_165 = arith.cmpi ne, %convert_element_type3A_163, %cond3A_164 : i32
      scf.if %cond3A_165 {
        %add3A_260 = arith.constant 3 : i32
        %add3A_261 = arith.addi %add3A_120, %add3A_260 : i32
        %mul3A_262 = arith.constant 128 : i32
        %mul3A_263 = arith.muli %add3A_261, %mul3A_262 : i32
        %dma_start3A_264 = arith.constant 0 : i32
        %dma_start3A_265 = arith.constant 0 : i32
        %dma_start3A_266 = arith.constant 0 : i32
        %dma_start3A_267 = arith.constant 0 : i32
        %dma_start3A_268 = tpu.memref_slice %arg7[%dma_start3A_264, %dma_start3A_266, %dma_start3A_267] : memref<4x128x64xf32, #tpu.memory_space<vmem>> -> memref<1x128x64xf32, #tpu.memory_space<vmem>>
        %dma_start3A_269 = tpu.memref_squeeze %dma_start3A_268 : memref<1x128x64xf32, #tpu.memory_space<vmem>> -> memref<128x64xf32, #tpu.memory_space<vmem>>
        %dma_start3A_270 = tpu.memref_slice %arg6[%mul3A_263] : memref<25088xi32, #tpu.memory_space<vmem>> -> memref<128xi32, #tpu.memory_space<vmem>>
        %dma_start3A_271 = arith.constant 0 : i32
        %dma_start3A_272 = arith.constant 0 : i32
        %dma_start3A_273 = tpu.memref_slice %arg2[%dma_start3A_271, %dma_start3A_272] : memref<50000x64xf32, #tpu.memory_space<hbm>> -> memref<50000x64xf32, #tpu.memory_space<hbm>>
        %dma_start3A_274 = tpu.memref_slice %arg8[%dma_start3A_265] : memref<4x!tpu.dma_semaphore, #tpu.memory_space<semaphore_mem>> -> memref<1x!tpu.dma_semaphore, #tpu.memory_space<semaphore_mem>>
        %dma_start3A_275 = tpu.memref_squeeze %dma_start3A_274 : memref<1x!tpu.dma_semaphore, #tpu.memory_space<semaphore_mem>> -> memref<!tpu.dma_semaphore, #tpu.memory_space<semaphore_mem>>
        tpu.enqueue_indirect_dma source(%dma_start3A_273 : memref<50000x64xf32, #tpu.memory_space<hbm>>) target(%dma_start3A_269 : memref<128x64xf32, #tpu.memory_space<vmem>>) offsets(%dma_start3A_270 : memref<128xi32, #tpu.memory_space<vmem>>) semaphore(%dma_start3A_275 : memref<!tpu.dma_semaphore, #tpu.memory_space<semaphore_mem>>)
      } else {
      }
      %add3A_166 = arith.constant 2 : i32
      %add3A_167 = arith.addi %add3A_75, %add3A_166 : i32
      %mul3A_168 = arith.constant 128 : i32
      %mul3A_169 = arith.muli %add3A_167, %mul3A_168 : i32
      %dma_wait3A_170 = arith.constant 2 : i32
      %dma_wait3A_171 = arith.constant 2 : i32
      %dma_wait3A_172 = arith.constant 0 : i32
      %dma_wait3A_173 = arith.constant 0 : i32
      %dma_wait3A_174 = tpu.memref_slice %arg7[%dma_wait3A_170, %dma_wait3A_172, %dma_wait3A_173] : memref<4x128x64xf32, #tpu.memory_space<vmem>> -> memref<1x128x64xf32, #tpu.memory_space<vmem>>
      %dma_wait3A_175 = tpu.memref_squeeze %dma_wait3A_174 : memref<1x128x64xf32, #tpu.memory_space<vmem>> -> memref<128x64xf32, #tpu.memory_space<vmem>>
      %dma_wait3A_176 = tpu.memref_slice %arg6[%mul3A_169] : memref<25088xi32, #tpu.memory_space<vmem>> -> memref<128xi32, #tpu.memory_space<vmem>>
      %dma_wait3A_177 = arith.constant 0 : i32
      %dma_wait3A_178 = arith.constant 0 : i32
      %dma_wait3A_179 = tpu.memref_slice %arg2[%dma_wait3A_177, %dma_wait3A_178] : memref<50000x64xf32, #tpu.memory_space<hbm>> -> memref<50000x64xf32, #tpu.memory_space<hbm>>
      %dma_wait3A_180 = tpu.memref_slice %arg8[%dma_wait3A_171] : memref<4x!tpu.dma_semaphore, #tpu.memory_space<semaphore_mem>> -> memref<1x!tpu.dma_semaphore, #tpu.memory_space<semaphore_mem>>
      %dma_wait3A_181 = tpu.memref_squeeze %dma_wait3A_180 : memref<1x!tpu.dma_semaphore, #tpu.memory_space<semaphore_mem>> -> memref<!tpu.dma_semaphore, #tpu.memory_space<semaphore_mem>>
      tpu.wait_indirect_dma semaphore(%dma_wait3A_181 : memref<!tpu.dma_semaphore, #tpu.memory_space<semaphore_mem>>) src(%dma_wait3A_179 : memref<50000x64xf32, #tpu.memory_space<hbm>>) dst(%dma_wait3A_175 : memref<128x64xf32, #tpu.memory_space<vmem>>)
      %add3A_182 = arith.addi %mul3A_2, %add3A_167 : i32
      %mul3A_183 = arith.constant 128 : i32
      %mul3A_184 = arith.muli %add3A_182, %mul3A_183 : i32
      %dma_start3A_185 = arith.constant 2 : i32
      %dma_start3A_186 = arith.constant 2 : i32
      %dma_start3A_187 = arith.constant 0 : i32
      %dma_start3A_188 = arith.constant 0 : i32
      %dma_start3A_189 = tpu.memref_slice %arg7[%dma_start3A_185, %dma_start3A_187, %dma_start3A_188] : memref<4x128x64xf32, #tpu.memory_space<vmem>> -> memref<1x128x64xf32, #tpu.memory_space<vmem>>
      %dma_start3A_190 = tpu.memref_squeeze %dma_start3A_189 : memref<1x128x64xf32, #tpu.memory_space<vmem>> -> memref<128x64xf32, #tpu.memory_space<vmem>>
      %dma_start3A_191 = arith.constant 0 : i32
      %dma_start3A_192 = tpu.memref_slice %arg4[%mul3A_184, %dma_start3A_191] : memref<802816x64xf32, #tpu.memory_space<hbm>> -> memref<128x64xf32, #tpu.memory_space<hbm>>
      %dma_start3A_193 = tpu.memref_slice %arg9[%dma_start3A_186] : memref<4x!tpu.dma_semaphore, #tpu.memory_space<semaphore_mem>> -> memref<1x!tpu.dma_semaphore, #tpu.memory_space<semaphore_mem>>
      %dma_start3A_194 = tpu.memref_squeeze %dma_start3A_193 : memref<1x!tpu.dma_semaphore, #tpu.memory_space<semaphore_mem>> -> memref<!tpu.dma_semaphore, #tpu.memory_space<semaphore_mem>>
      %dma_start3A_195 = arith.constant 0 : i32
      %dma_start3A_196 = tpu.memref_slice %arg4[%mul3A_184, %dma_start3A_195] : memref<802816x64xf32, #tpu.memory_space<hbm>> -> memref<128x64xf32, #tpu.memory_space<hbm>>
      %dma_start3A_197 = arith.constant 0 : i32
      %dma_start3A_198 = arith.constant 0 : i32
      %dma_start3A_199 = tpu.memref_slice %arg7[%dma_start3A_185, %dma_start3A_197, %dma_start3A_198] : memref<4x128x64xf32, #tpu.memory_space<vmem>> -> memref<1x128x64xf32, #tpu.memory_space<vmem>>
      %dma_start3A_200 = tpu.memref_squeeze %dma_start3A_199 : memref<1x128x64xf32, #tpu.memory_space<vmem>> -> memref<128x64xf32, #tpu.memory_space<vmem>>
      tpu.enqueue_dma source(%dma_start3A_200 : memref<128x64xf32, #tpu.memory_space<vmem>>) target(%dma_start3A_196 : memref<128x64xf32, #tpu.memory_space<hbm>>) target_semaphore(%dma_start3A_194 : memref<!tpu.dma_semaphore, #tpu.memory_space<semaphore_mem>>)
      %ge3A_201 = arith.constant 1 : i32
      %ge3A_202 = arith.cmpi sge, %add3A_167, %ge3A_201 : i32
      %convert_element_type3A_203 = arith.extui %ge3A_202 : i1 to i32
      %cond3A_204 = arith.constant 0 : i32
      %cond3A_205 = arith.cmpi ne, %convert_element_type3A_203, %cond3A_204 : i32
      scf.if %cond3A_205 {
        %sub3A = arith.constant 1 : i32
        %sub3A_260 = arith.subi %add3A_167, %sub3A : i32
        %add3A_261 = arith.addi %mul3A_2, %sub3A_260 : i32
        %mul3A_262 = arith.constant 128 : i32
        %mul3A_263 = arith.muli %add3A_261, %mul3A_262 : i32
        %dma_wait3A_264 = arith.constant 1 : i32
        %dma_wait3A_265 = arith.constant 1 : i32
        %dma_wait3A_266 = arith.constant 0 : i32
        %dma_wait3A_267 = arith.constant 0 : i32
        %dma_wait3A_268 = tpu.memref_slice %arg7[%dma_wait3A_264, %dma_wait3A_266, %dma_wait3A_267] : memref<4x128x64xf32, #tpu.memory_space<vmem>> -> memref<1x128x64xf32, #tpu.memory_space<vmem>>
        %dma_wait3A_269 = tpu.memref_squeeze %dma_wait3A_268 : memref<1x128x64xf32, #tpu.memory_space<vmem>> -> memref<128x64xf32, #tpu.memory_space<vmem>>
        %dma_wait3A_270 = arith.constant 0 : i32
        %dma_wait3A_271 = tpu.memref_slice %arg4[%mul3A_263, %dma_wait3A_270] : memref<802816x64xf32, #tpu.memory_space<hbm>> -> memref<128x64xf32, #tpu.memory_space<hbm>>
        %dma_wait3A_272 = tpu.memref_slice %arg9[%dma_wait3A_265] : memref<4x!tpu.dma_semaphore, #tpu.memory_space<semaphore_mem>> -> memref<1x!tpu.dma_semaphore, #tpu.memory_space<semaphore_mem>>
        %dma_wait3A_273 = tpu.memref_squeeze %dma_wait3A_272 : memref<1x!tpu.dma_semaphore, #tpu.memory_space<semaphore_mem>> -> memref<!tpu.dma_semaphore, #tpu.memory_space<semaphore_mem>>
        %dma_wait3A_274 = arith.constant 0 : i32
        %dma_wait3A_275 = tpu.memref_slice %arg4[%mul3A_263, %dma_wait3A_274] : memref<802816x64xf32, #tpu.memory_space<hbm>> -> memref<128x64xf32, #tpu.memory_space<hbm>>
        %dma_wait3A_276 = arith.constant 0 : i32
        %dma_wait3A_277 = arith.constant 0 : i32
        %dma_wait3A_278 = tpu.memref_slice %arg7[%dma_wait3A_264, %dma_wait3A_276, %dma_wait3A_277] : memref<4x128x64xf32, #tpu.memory_space<vmem>> -> memref<1x128x64xf32, #tpu.memory_space<vmem>>
        %dma_wait3A_279 = tpu.memref_squeeze %dma_wait3A_278 : memref<1x128x64xf32, #tpu.memory_space<vmem>> -> memref<128x64xf32, #tpu.memory_space<vmem>>
        tpu.wait_dma2 semaphore(%dma_wait3A_273 : memref<!tpu.dma_semaphore, #tpu.memory_space<semaphore_mem>>) src(%dma_wait3A_279 : memref<128x64xf32, #tpu.memory_space<vmem>>) dst(%dma_wait3A_275 : memref<128x64xf32, #tpu.memory_space<hbm>>)
      } else {
      }
      %add3A_206 = arith.constant 3 : i32
      %add3A_207 = arith.addi %add3A_167, %add3A_206 : i32
      %lt3A_208 = arith.constant 196 : i32
      %lt3A_209 = arith.cmpi slt, %add3A_207, %lt3A_208 : i32
      %convert_element_type3A_210 = arith.extui %lt3A_209 : i1 to i32
      %cond3A_211 = arith.constant 0 : i32
      %cond3A_212 = arith.cmpi ne, %convert_element_type3A_210, %cond3A_211 : i32
      scf.if %cond3A_212 {
        %add3A_260 = arith.constant 3 : i32
        %add3A_261 = arith.addi %add3A_167, %add3A_260 : i32
        %mul3A_262 = arith.constant 128 : i32
        %mul3A_263 = arith.muli %add3A_261, %mul3A_262 : i32
        %dma_start3A_264 = arith.constant 1 : i32
        %dma_start3A_265 = arith.constant 1 : i32
        %dma_start3A_266 = arith.constant 0 : i32
        %dma_start3A_267 = arith.constant 0 : i32
        %dma_start3A_268 = tpu.memref_slice %arg7[%dma_start3A_264, %dma_start3A_266, %dma_start3A_267] : memref<4x128x64xf32, #tpu.memory_space<vmem>> -> memref<1x128x64xf32, #tpu.memory_space<vmem>>
        %dma_start3A_269 = tpu.memref_squeeze %dma_start3A_268 : memref<1x128x64xf32, #tpu.memory_space<vmem>> -> memref<128x64xf32, #tpu.memory_space<vmem>>
        %dma_start3A_270 = tpu.memref_slice %arg6[%mul3A_263] : memref<25088xi32, #tpu.memory_space<vmem>> -> memref<128xi32, #tpu.memory_space<vmem>>
        %dma_start3A_271 = arith.constant 0 : i32
        %dma_start3A_272 = arith.constant 0 : i32
        %dma_start3A_273 = tpu.memref_slice %arg2[%dma_start3A_271, %dma_start3A_272] : memref<50000x64xf32, #tpu.memory_space<hbm>> -> memref<50000x64xf32, #tpu.memory_space<hbm>>
        %dma_start3A_274 = tpu.memref_slice %arg8[%dma_start3A_265] : memref<4x!tpu.dma_semaphore, #tpu.memory_space<semaphore_mem>> -> memref<1x!tpu.dma_semaphore, #tpu.memory_space<semaphore_mem>>
        %dma_start3A_275 = tpu.memref_squeeze %dma_start3A_274 : memref<1x!tpu.dma_semaphore, #tpu.memory_space<semaphore_mem>> -> memref<!tpu.dma_semaphore, #tpu.memory_space<semaphore_mem>>
        tpu.enqueue_indirect_dma source(%dma_start3A_273 : memref<50000x64xf32, #tpu.memory_space<hbm>>) target(%dma_start3A_269 : memref<128x64xf32, #tpu.memory_space<vmem>>) offsets(%dma_start3A_270 : memref<128xi32, #tpu.memory_space<vmem>>) semaphore(%dma_start3A_275 : memref<!tpu.dma_semaphore, #tpu.memory_space<semaphore_mem>>)
      } else {
      }
      %add3A_213 = arith.constant 3 : i32
      %add3A_214 = arith.addi %add3A_75, %add3A_213 : i32
      %mul3A_215 = arith.constant 128 : i32
      %mul3A_216 = arith.muli %add3A_214, %mul3A_215 : i32
      %dma_wait3A_217 = arith.constant 3 : i32
      %dma_wait3A_218 = arith.constant 3 : i32
      %dma_wait3A_219 = arith.constant 0 : i32
      %dma_wait3A_220 = arith.constant 0 : i32
      %dma_wait3A_221 = tpu.memref_slice %arg7[%dma_wait3A_217, %dma_wait3A_219, %dma_wait3A_220] : memref<4x128x64xf32, #tpu.memory_space<vmem>> -> memref<1x128x64xf32, #tpu.memory_space<vmem>>
      %dma_wait3A_222 = tpu.memref_squeeze %dma_wait3A_221 : memref<1x128x64xf32, #tpu.memory_space<vmem>> -> memref<128x64xf32, #tpu.memory_space<vmem>>
      %dma_wait3A_223 = tpu.memref_slice %arg6[%mul3A_216] : memref<25088xi32, #tpu.memory_space<vmem>> -> memref<128xi32, #tpu.memory_space<vmem>>
      %dma_wait3A_224 = arith.constant 0 : i32
      %dma_wait3A_225 = arith.constant 0 : i32
      %dma_wait3A_226 = tpu.memref_slice %arg2[%dma_wait3A_224, %dma_wait3A_225] : memref<50000x64xf32, #tpu.memory_space<hbm>> -> memref<50000x64xf32, #tpu.memory_space<hbm>>
      %dma_wait3A_227 = tpu.memref_slice %arg8[%dma_wait3A_218] : memref<4x!tpu.dma_semaphore, #tpu.memory_space<semaphore_mem>> -> memref<1x!tpu.dma_semaphore, #tpu.memory_space<semaphore_mem>>
      %dma_wait3A_228 = tpu.memref_squeeze %dma_wait3A_227 : memref<1x!tpu.dma_semaphore, #tpu.memory_space<semaphore_mem>> -> memref<!tpu.dma_semaphore, #tpu.memory_space<semaphore_mem>>
      tpu.wait_indirect_dma semaphore(%dma_wait3A_228 : memref<!tpu.dma_semaphore, #tpu.memory_space<semaphore_mem>>) src(%dma_wait3A_226 : memref<50000x64xf32, #tpu.memory_space<hbm>>) dst(%dma_wait3A_222 : memref<128x64xf32, #tpu.memory_space<vmem>>)
      %add3A_229 = arith.addi %mul3A_2, %add3A_214 : i32
      %mul3A_230 = arith.constant 128 : i32
      %mul3A_231 = arith.muli %add3A_229, %mul3A_230 : i32
      %dma_start3A_232 = arith.constant 3 : i32
      %dma_start3A_233 = arith.constant 3 : i32
      %dma_start3A_234 = arith.constant 0 : i32
      %dma_start3A_235 = arith.constant 0 : i32
      %dma_start3A_236 = tpu.memref_slice %arg7[%dma_start3A_232, %dma_start3A_234, %dma_start3A_235] : memref<4x128x64xf32, #tpu.memory_space<vmem>> -> memref<1x128x64xf32, #tpu.memory_space<vmem>>
      %dma_start3A_237 = tpu.memref_squeeze %dma_start3A_236 : memref<1x128x64xf32, #tpu.memory_space<vmem>> -> memref<128x64xf32, #tpu.memory_space<vmem>>
      %dma_start3A_238 = arith.constant 0 : i32
      %dma_start3A_239 = tpu.memref_slice %arg4[%mul3A_231, %dma_start3A_238] : memref<802816x64xf32, #tpu.memory_space<hbm>> -> memref<128x64xf32, #tpu.memory_space<hbm>>
      %dma_start3A_240 = tpu.memref_slice %arg9[%dma_start3A_233] : memref<4x!tpu.dma_semaphore, #tpu.memory_space<semaphore_mem>> -> memref<1x!tpu.dma_semaphore, #tpu.memory_space<semaphore_mem>>
      %dma_start3A_241 = tpu.memref_squeeze %dma_start3A_240 : memref<1x!tpu.dma_semaphore, #tpu.memory_space<semaphore_mem>> -> memref<!tpu.dma_semaphore, #tpu.memory_space<semaphore_mem>>
      %dma_start3A_242 = arith.constant 0 : i32
      %dma_start3A_243 = tpu.memref_slice %arg4[%mul3A_231, %dma_start3A_242] : memref<802816x64xf32, #tpu.memory_space<hbm>> -> memref<128x64xf32, #tpu.memory_space<hbm>>
      %dma_start3A_244 = arith.constant 0 : i32
      %dma_start3A_245 = arith.constant 0 : i32
      %dma_start3A_246 = tpu.memref_slice %arg7[%dma_start3A_232, %dma_start3A_244, %dma_start3A_245] : memref<4x128x64xf32, #tpu.memory_space<vmem>> -> memref<1x128x64xf32, #tpu.memory_space<vmem>>
      %dma_start3A_247 = tpu.memref_squeeze %dma_start3A_246 : memref<1x128x64xf32, #tpu.memory_space<vmem>> -> memref<128x64xf32, #tpu.memory_space<vmem>>
      tpu.enqueue_dma source(%dma_start3A_247 : memref<128x64xf32, #tpu.memory_space<vmem>>) target(%dma_start3A_243 : memref<128x64xf32, #tpu.memory_space<hbm>>) target_semaphore(%dma_start3A_241 : memref<!tpu.dma_semaphore, #tpu.memory_space<semaphore_mem>>)
      %ge3A_248 = arith.constant 1 : i32
      %ge3A_249 = arith.cmpi sge, %add3A_214, %ge3A_248 : i32
      %convert_element_type3A_250 = arith.extui %ge3A_249 : i1 to i32
      %cond3A_251 = arith.constant 0 : i32
      %cond3A_252 = arith.cmpi ne, %convert_element_type3A_250, %cond3A_251 : i32
      scf.if %cond3A_252 {
        %sub3A = arith.constant 1 : i32
        %sub3A_260 = arith.subi %add3A_214, %sub3A : i32
        %add3A_261 = arith.addi %mul3A_2, %sub3A_260 : i32
        %mul3A_262 = arith.constant 128 : i32
        %mul3A_263 = arith.muli %add3A_261, %mul3A_262 : i32
        %dma_wait3A_264 = arith.constant 2 : i32
        %dma_wait3A_265 = arith.constant 2 : i32
        %dma_wait3A_266 = arith.constant 0 : i32
        %dma_wait3A_267 = arith.constant 0 : i32
        %dma_wait3A_268 = tpu.memref_slice %arg7[%dma_wait3A_264, %dma_wait3A_266, %dma_wait3A_267] : memref<4x128x64xf32, #tpu.memory_space<vmem>> -> memref<1x128x64xf32, #tpu.memory_space<vmem>>
        %dma_wait3A_269 = tpu.memref_squeeze %dma_wait3A_268 : memref<1x128x64xf32, #tpu.memory_space<vmem>> -> memref<128x64xf32, #tpu.memory_space<vmem>>
        %dma_wait3A_270 = arith.constant 0 : i32
        %dma_wait3A_271 = tpu.memref_slice %arg4[%mul3A_263, %dma_wait3A_270] : memref<802816x64xf32, #tpu.memory_space<hbm>> -> memref<128x64xf32, #tpu.memory_space<hbm>>
        %dma_wait3A_272 = tpu.memref_slice %arg9[%dma_wait3A_265] : memref<4x!tpu.dma_semaphore, #tpu.memory_space<semaphore_mem>> -> memref<1x!tpu.dma_semaphore, #tpu.memory_space<semaphore_mem>>
        %dma_wait3A_273 = tpu.memref_squeeze %dma_wait3A_272 : memref<1x!tpu.dma_semaphore, #tpu.memory_space<semaphore_mem>> -> memref<!tpu.dma_semaphore, #tpu.memory_space<semaphore_mem>>
        %dma_wait3A_274 = arith.constant 0 : i32
        %dma_wait3A_275 = tpu.memref_slice %arg4[%mul3A_263, %dma_wait3A_274] : memref<802816x64xf32, #tpu.memory_space<hbm>> -> memref<128x64xf32, #tpu.memory_space<hbm>>
        %dma_wait3A_276 = arith.constant 0 : i32
        %dma_wait3A_277 = arith.constant 0 : i32
        %dma_wait3A_278 = tpu.memref_slice %arg7[%dma_wait3A_264, %dma_wait3A_276, %dma_wait3A_277] : memref<4x128x64xf32, #tpu.memory_space<vmem>> -> memref<1x128x64xf32, #tpu.memory_space<vmem>>
        %dma_wait3A_279 = tpu.memref_squeeze %dma_wait3A_278 : memref<1x128x64xf32, #tpu.memory_space<vmem>> -> memref<128x64xf32, #tpu.memory_space<vmem>>
        tpu.wait_dma2 semaphore(%dma_wait3A_273 : memref<!tpu.dma_semaphore, #tpu.memory_space<semaphore_mem>>) src(%dma_wait3A_279 : memref<128x64xf32, #tpu.memory_space<vmem>>) dst(%dma_wait3A_275 : memref<128x64xf32, #tpu.memory_space<hbm>>)
      } else {
      }
      %add3A_253 = arith.constant 3 : i32
      %add3A_254 = arith.addi %add3A_214, %add3A_253 : i32
      %lt3A_255 = arith.constant 196 : i32
      %lt3A_256 = arith.cmpi slt, %add3A_254, %lt3A_255 : i32
      %convert_element_type3A_257 = arith.extui %lt3A_256 : i1 to i32
      %cond3A_258 = arith.constant 0 : i32
      %cond3A_259 = arith.cmpi ne, %convert_element_type3A_257, %cond3A_258 : i32
      scf.if %cond3A_259 {
        %add3A_260 = arith.constant 3 : i32
        %add3A_261 = arith.addi %add3A_214, %add3A_260 : i32
        %mul3A_262 = arith.constant 128 : i32
        %mul3A_263 = arith.muli %add3A_261, %mul3A_262 : i32
        %dma_start3A_264 = arith.constant 2 : i32
        %dma_start3A_265 = arith.constant 2 : i32
        %dma_start3A_266 = arith.constant 0 : i32
        %dma_start3A_267 = arith.constant 0 : i32
        %dma_start3A_268 = tpu.memref_slice %arg7[%dma_start3A_264, %dma_start3A_266, %dma_start3A_267] : memref<4x128x64xf32, #tpu.memory_space<vmem>> -> memref<1x128x64xf32, #tpu.memory_space<vmem>>
        %dma_start3A_269 = tpu.memref_squeeze %dma_start3A_268 : memref<1x128x64xf32, #tpu.memory_space<vmem>> -> memref<128x64xf32, #tpu.memory_space<vmem>>
        %dma_start3A_270 = tpu.memref_slice %arg6[%mul3A_263] : memref<25088xi32, #tpu.memory_space<vmem>> -> memref<128xi32, #tpu.memory_space<vmem>>
        %dma_start3A_271 = arith.constant 0 : i32
        %dma_start3A_272 = arith.constant 0 : i32
        %dma_start3A_273 = tpu.memref_slice %arg2[%dma_start3A_271, %dma_start3A_272] : memref<50000x64xf32, #tpu.memory_space<hbm>> -> memref<50000x64xf32, #tpu.memory_space<hbm>>
        %dma_start3A_274 = tpu.memref_slice %arg8[%dma_start3A_265] : memref<4x!tpu.dma_semaphore, #tpu.memory_space<semaphore_mem>> -> memref<1x!tpu.dma_semaphore, #tpu.memory_space<semaphore_mem>>
        %dma_start3A_275 = tpu.memref_squeeze %dma_start3A_274 : memref<1x!tpu.dma_semaphore, #tpu.memory_space<semaphore_mem>> -> memref<!tpu.dma_semaphore, #tpu.memory_space<semaphore_mem>>
        tpu.enqueue_indirect_dma source(%dma_start3A_273 : memref<50000x64xf32, #tpu.memory_space<hbm>>) target(%dma_start3A_269 : memref<128x64xf32, #tpu.memory_space<vmem>>) offsets(%dma_start3A_270 : memref<128xi32, #tpu.memory_space<vmem>>) semaphore(%dma_start3A_275 : memref<!tpu.dma_semaphore, #tpu.memory_space<semaphore_mem>>)
      } else {
      }
    }
    %scan3A_51 = arith.constant 49 : i32
    %add3A_52 = arith.constant 195 : i32
    %add3A_53 = arith.addi %mul3A_2, %add3A_52 : i32
    %mul3A_54 = arith.constant 128 : i32
    %mul3A_55 = arith.muli %add3A_53, %mul3A_54 : i32
    %dma_wait3A = arith.constant 3 : i32
    %dma_wait3A_56 = arith.constant 3 : i32
    %dma_wait3A_57 = arith.constant 0 : i32
    %dma_wait3A_58 = arith.constant 0 : i32
    %dma_wait3A_59 = tpu.memref_slice %arg7[%dma_wait3A, %dma_wait3A_57, %dma_wait3A_58] : memref<4x128x64xf32, #tpu.memory_space<vmem>> -> memref<1x128x64xf32, #tpu.memory_space<vmem>>
    %dma_wait3A_60 = tpu.memref_squeeze %dma_wait3A_59 : memref<1x128x64xf32, #tpu.memory_space<vmem>> -> memref<128x64xf32, #tpu.memory_space<vmem>>
    %dma_wait3A_61 = arith.constant 0 : i32
    %dma_wait3A_62 = tpu.memref_slice %arg4[%mul3A_55, %dma_wait3A_61] : memref<802816x64xf32, #tpu.memory_space<hbm>> -> memref<128x64xf32, #tpu.memory_space<hbm>>
    %dma_wait3A_63 = tpu.memref_slice %arg9[%dma_wait3A_56] : memref<4x!tpu.dma_semaphore, #tpu.memory_space<semaphore_mem>> -> memref<1x!tpu.dma_semaphore, #tpu.memory_space<semaphore_mem>>
    %dma_wait3A_64 = tpu.memref_squeeze %dma_wait3A_63 : memref<1x!tpu.dma_semaphore, #tpu.memory_space<semaphore_mem>> -> memref<!tpu.dma_semaphore, #tpu.memory_space<semaphore_mem>>
    %dma_wait3A_65 = arith.constant 0 : i32
    %dma_wait3A_66 = tpu.memref_slice %arg4[%mul3A_55, %dma_wait3A_65] : memref<802816x64xf32, #tpu.memory_space<hbm>> -> memref<128x64xf32, #tpu.memory_space<hbm>>
    %dma_wait3A_67 = arith.constant 0 : i32
    %dma_wait3A_68 = arith.constant 0 : i32
    %dma_wait3A_69 = tpu.memref_slice %arg7[%dma_wait3A, %dma_wait3A_67, %dma_wait3A_68] : memref<4x128x64xf32, #tpu.memory_space<vmem>> -> memref<1x128x64xf32, #tpu.memory_space<vmem>>
    %dma_wait3A_70 = tpu.memref_squeeze %dma_wait3A_69 : memref<1x128x64xf32, #tpu.memory_space<vmem>> -> memref<128x64xf32, #tpu.memory_space<vmem>>
    tpu.wait_dma2 semaphore(%dma_wait3A_64 : memref<!tpu.dma_semaphore, #tpu.memory_space<semaphore_mem>>) src(%dma_wait3A_70 : memref<128x64xf32, #tpu.memory_space<vmem>>) dst(%dma_wait3A_66 : memref<128x64xf32, #tpu.memory_space<hbm>>)
    return
  }
}

module attributes {stable_mosaic.version = 14 : i64} {
  func.func @_mlp_body(%arg0: i32, %arg1: memref<3200x128xf32, #tpu.memory_space<vmem>>, %arg2: memref<64x3200xf32, #tpu.memory_space<vmem>>, %arg3: memref<16x3200xf32, #tpu.memory_space<vmem>>, %arg4: memref<64x128xf32, #tpu.memory_space<vmem>>, %arg5: memref<64x64xf32, #tpu.memory_space<vmem>>, %arg6: memref<64x16xf32, #tpu.memory_space<vmem>>, %arg7: memref<64x64xf32, #tpu.memory_space<vmem>>, %arg8: memref<64x1xf32, #tpu.memory_space<vmem>>, %arg9: memref<64x1xf32, #tpu.memory_space<vmem>>, %arg10: memref<64x1xf32, #tpu.memory_space<vmem>>, %arg11: memref<64x1xf32, #tpu.memory_space<vmem>>, %arg12: memref<64x3200xf32, #tpu.memory_space<vmem>>) attributes {dimension_semantics = [#tpu.dimension_semantics<arbitrary>], iteration_bounds = array<i64: 125>, scalar_prefetch = 0 : i64, scratch_operands = 0 : i64, tpu.core_type = #tpu.core_type<tc>, window_params = [{transform_indices = @transform_0, window_bounds = array<i64: 3200, 128>}, {transform_indices = @transform_1, window_bounds = array<i64: 64, 3200>}, {transform_indices = @transform_2, window_bounds = array<i64: 16, 3200>}, {pipeline_mode = #tpu.pipeline_mode<synchronous>, transform_indices = @transform_3, window_bounds = array<i64: 64, 128>}, {pipeline_mode = #tpu.pipeline_mode<synchronous>, transform_indices = @transform_4, window_bounds = array<i64: 64, 64>}, {pipeline_mode = #tpu.pipeline_mode<synchronous>, transform_indices = @transform_5, window_bounds = array<i64: 64, 16>}, {pipeline_mode = #tpu.pipeline_mode<synchronous>, transform_indices = @transform_6, window_bounds = array<i64: 64, 64>}, {pipeline_mode = #tpu.pipeline_mode<synchronous>, transform_indices = @transform_7, window_bounds = array<i64: 64, 1>}, {pipeline_mode = #tpu.pipeline_mode<synchronous>, transform_indices = @transform_8, window_bounds = array<i64: 64, 1>}, {pipeline_mode = #tpu.pipeline_mode<synchronous>, transform_indices = @transform_9, window_bounds = array<i64: 64, 1>}, {pipeline_mode = #tpu.pipeline_mode<synchronous>, transform_indices = @transform_10, window_bounds = array<i64: 64, 1>}, {transform_indices = @transform_11, window_bounds = array<i64: 64, 3200>}]} {
    %get3A = arith.constant 0 : index
    %get3A_0 = arith.constant 0 : index
    %get3A_1 = vector.load %arg1[%get3A, %get3A_0] : memref<3200x128xf32, #tpu.memory_space<vmem>>, vector<3200x128xf32>
    %get3A_2 = arith.constant 0 : index
    %get3A_3 = arith.constant 0 : index
    %get3A_4 = vector.load %arg2[%get3A_2, %get3A_3] : memref<64x3200xf32, #tpu.memory_space<vmem>>, vector<64x3200xf32>
    %get3A_5 = arith.constant 0 : index
    %get3A_6 = arith.constant 0 : index
    %get3A_7 = vector.load %arg3[%get3A_5, %get3A_6] : memref<16x3200xf32, #tpu.memory_space<vmem>>, vector<16x3200xf32>
    %get3A_8 = arith.constant 0 : index
    %get3A_9 = arith.constant 0 : index
    %get3A_10 = vector.load %arg4[%get3A_8, %get3A_9] : memref<64x128xf32, #tpu.memory_space<vmem>>, vector<64x128xf32>
    %get3A_11 = arith.constant 0 : index
    %get3A_12 = arith.constant 0 : index
    %get3A_13 = vector.load %arg5[%get3A_11, %get3A_12] : memref<64x64xf32, #tpu.memory_space<vmem>>, vector<64x64xf32>
    %get3A_14 = arith.constant 0 : index
    %get3A_15 = arith.constant 0 : index
    %get3A_16 = vector.load %arg6[%get3A_14, %get3A_15] : memref<64x16xf32, #tpu.memory_space<vmem>>, vector<64x16xf32>
    %get3A_17 = arith.constant 0 : index
    %get3A_18 = arith.constant 0 : index
    %get3A_19 = vector.load %arg7[%get3A_17, %get3A_18] : memref<64x64xf32, #tpu.memory_space<vmem>>, vector<64x64xf32>
    %get3A_20 = arith.constant 0 : index
    %get3A_21 = arith.constant 0 : index
    %get3A_22 = vector.load %arg8[%get3A_20, %get3A_21] : memref<64x1xf32, #tpu.memory_space<vmem>>, vector<64x1xf32>
    %get3A_23 = arith.constant 0 : index
    %get3A_24 = arith.constant 0 : index
    %get3A_25 = vector.load %arg9[%get3A_23, %get3A_24] : memref<64x1xf32, #tpu.memory_space<vmem>>, vector<64x1xf32>
    %get3A_26 = arith.constant 0 : index
    %get3A_27 = arith.constant 0 : index
    %get3A_28 = vector.load %arg10[%get3A_26, %get3A_27] : memref<64x1xf32, #tpu.memory_space<vmem>>, vector<64x1xf32>
    %get3A_29 = arith.constant 0 : index
    %get3A_30 = arith.constant 0 : index
    %get3A_31 = vector.load %arg11[%get3A_29, %get3A_30] : memref<64x1xf32, #tpu.memory_space<vmem>>, vector<64x1xf32>
    %dot_general3A = arith.constant dense<0.000000e+00> : vector<64x3200xf32>
    %dot_general3A_32 = tpu.matmul %get3A_10, %get3A_1, %dot_general3A {dimension_numbers = #tpu.dot_dimension_numbers<[1], [1], [0], [0], [0, 0, 1, 0], [], []>, transpose_lhs_hint = false} : vector<64x128xf32>, vector<3200x128xf32>, vector<64x3200xf32> -> vector<64x3200xf32>
    %dot_general3A_33 = arith.constant dense<0.000000e+00> : vector<64x3200xf32>
    %dot_general3A_34 = tpu.matmul %get3A_13, %get3A_4, %dot_general3A_33 {dimension_numbers = #tpu.dot_dimension_numbers<[1], [0], [0], [1], [0, 0, 1, 1], [], []>, transpose_lhs_hint = false} : vector<64x64xf32>, vector<64x3200xf32>, vector<64x3200xf32> -> vector<64x3200xf32>
    %add3A = arith.addf %dot_general3A_32, %dot_general3A_34 : vector<64x3200xf32>
    %dot_general3A_35 = arith.constant dense<0.000000e+00> : vector<64x3200xf32>
    %dot_general3A_36 = tpu.matmul %get3A_16, %get3A_7, %dot_general3A_35 {dimension_numbers = #tpu.dot_dimension_numbers<[1], [0], [0], [1], [0, 0, 1, 1], [], []>, transpose_lhs_hint = false} : vector<64x16xf32>, vector<16x3200xf32>, vector<64x3200xf32> -> vector<64x3200xf32>
    %add3A_37 = arith.addf %add3A, %dot_general3A_36 : vector<64x3200xf32>
    %add3A_38 = vector.broadcast %get3A_22 : vector<64x1xf32> to vector<64x3200xf32>
    %add3A_39 = arith.addf %add3A_37, %add3A_38 : vector<64x3200xf32>
    %logistic3A = arith.negf %add3A_39 : vector<64x3200xf32>
    %logistic3A_40 = math.exp %logistic3A : vector<64x3200xf32>
    %logistic3A_41 = arith.constant 1.000000e+00 : f32
    %logistic3A_42 = vector.broadcast %logistic3A_41 : f32 to vector<64x3200xf32>
    %logistic3A_43 = arith.addf %logistic3A_42, %logistic3A_40 : vector<64x3200xf32>
    %logistic3A_44 = arith.divf %logistic3A_42, %logistic3A_43 : vector<64x3200xf32>
    %mul3A = arith.mulf %add3A_39, %logistic3A_44 : vector<64x3200xf32>
    %dot_general3A_45 = arith.constant dense<0.000000e+00> : vector<64x3200xf32>
    %dot_general3A_46 = tpu.matmul %get3A_19, %mul3A, %dot_general3A_45 {dimension_numbers = #tpu.dot_dimension_numbers<[1], [0], [0], [1], [0, 0, 1, 1], [], []>, transpose_lhs_hint = false} : vector<64x64xf32>, vector<64x3200xf32>, vector<64x3200xf32> -> vector<64x3200xf32>
    %add3A_47 = vector.broadcast %get3A_25 : vector<64x1xf32> to vector<64x3200xf32>
    %add3A_48 = arith.addf %dot_general3A_46, %add3A_47 : vector<64x3200xf32>
    %logistic3A_49 = arith.negf %add3A_48 : vector<64x3200xf32>
    %logistic3A_50 = math.exp %logistic3A_49 : vector<64x3200xf32>
    %logistic3A_51 = arith.constant 1.000000e+00 : f32
    %logistic3A_52 = vector.broadcast %logistic3A_51 : f32 to vector<64x3200xf32>
    %logistic3A_53 = arith.addf %logistic3A_52, %logistic3A_50 : vector<64x3200xf32>
    %logistic3A_54 = arith.divf %logistic3A_52, %logistic3A_53 : vector<64x3200xf32>
    %mul3A_55 = arith.mulf %add3A_48, %logistic3A_54 : vector<64x3200xf32>
    %add3A_56 = arith.addf %get3A_4, %mul3A_55 : vector<64x3200xf32>
    %reduce_sum3A = arith.constant dense<0.000000e+00> : vector<3200xf32>
    %reduce_sum3A_57 = vector.multi_reduction <add>, %add3A_56, %reduce_sum3A [0] : vector<64x3200xf32> to vector<3200xf32>
    %broadcast_in_dim3A = vector.shape_cast %reduce_sum3A_57 : vector<3200xf32> to vector<1x3200xf32>
    %div3A = arith.constant 6.400000e+01 : f32
    %div3A_58 = vector.broadcast %div3A : f32 to vector<1x3200xf32>
    %div3A_59 = arith.divf %broadcast_in_dim3A, %div3A_58 : vector<1x3200xf32>
    %sub3A = vector.broadcast %div3A_59 : vector<1x3200xf32> to vector<64x3200xf32>
    %sub3A_60 = arith.subf %add3A_56, %sub3A : vector<64x3200xf32>
    %mul3A_61 = arith.mulf %sub3A_60, %sub3A_60 : vector<64x3200xf32>
    %reduce_sum3A_62 = arith.constant dense<0.000000e+00> : vector<3200xf32>
    %reduce_sum3A_63 = vector.multi_reduction <add>, %mul3A_61, %reduce_sum3A_62 [0] : vector<64x3200xf32> to vector<3200xf32>
    %broadcast_in_dim3A_64 = vector.shape_cast %reduce_sum3A_63 : vector<3200xf32> to vector<1x3200xf32>
    %div3A_65 = arith.constant 6.400000e+01 : f32
    %div3A_66 = vector.broadcast %div3A_65 : f32 to vector<1x3200xf32>
    %div3A_67 = arith.divf %broadcast_in_dim3A_64, %div3A_66 : vector<1x3200xf32>
    %add3A_68 = arith.constant 9.99999974E-6 : f32
    %add3A_69 = vector.broadcast %add3A_68 : f32 to vector<1x3200xf32>
    %add3A_70 = arith.addf %div3A_67, %add3A_69 : vector<1x3200xf32>
    %rsqrt3A = math.rsqrt %add3A_70 : vector<1x3200xf32>
    %mul3A_71 = vector.broadcast %rsqrt3A : vector<1x3200xf32> to vector<64x3200xf32>
    %mul3A_72 = arith.mulf %sub3A_60, %mul3A_71 : vector<64x3200xf32>
    %mul3A_73 = vector.broadcast %get3A_28 : vector<64x1xf32> to vector<64x3200xf32>
    %mul3A_74 = arith.mulf %mul3A_72, %mul3A_73 : vector<64x3200xf32>
    %add3A_75 = vector.broadcast %get3A_31 : vector<64x1xf32> to vector<64x3200xf32>
    %add3A_76 = arith.addf %mul3A_74, %add3A_75 : vector<64x3200xf32>
    %swap3A = arith.constant 0 : index
    %swap3A_77 = arith.constant 0 : index
    %swap3A_78 = vector.load %arg12[%swap3A, %swap3A_77] : memref<64x3200xf32, #tpu.memory_space<vmem>>, vector<64x3200xf32>
    tpu.vector_store %arg12[%swap3A, %swap3A_77], %add3A_76 {strides = array<i32>} : memref<64x3200xf32, #tpu.memory_space<vmem>>, vector<64x3200xf32>,
    return
  }
  func.func @transform_0(%arg0: i32) -> (i32, i32) {
    %c0_i32 = arith.constant 0 : i32
    %c0_i32_0 = arith.constant 0 : i32
    return %arg0, %c0_i32 : i32, i32
  }
  func.func @transform_1(%arg0: i32) -> (i32, i32) {
    %add3A = arith.constant 0 : i32
    %add3A_0 = arith.addi %arg0, %add3A : i32
    %c0_i32 = arith.constant 0 : i32
    %c0_i32_1 = arith.constant 0 : i32
    return %c0_i32, %add3A_0 : i32, i32
  }
  func.func @transform_2(%arg0: i32) -> (i32, i32) {
    %add3A = arith.constant 0 : i32
    %add3A_0 = arith.addi %arg0, %add3A : i32
    %c0_i32 = arith.constant 0 : i32
    %c0_i32_1 = arith.constant 0 : i32
    return %c0_i32, %add3A_0 : i32, i32
  }
  func.func @transform_3(%arg0: i32) -> (i32, i32) {
    %c0_i32 = arith.constant 0 : i32
    %c0_i32_0 = arith.constant 0 : i32
    %c0_i32_1 = arith.constant 0 : i32
    return %c0_i32, %c0_i32_0 : i32, i32
  }
  func.func @transform_4(%arg0: i32) -> (i32, i32) {
    %c0_i32 = arith.constant 0 : i32
    %c0_i32_0 = arith.constant 0 : i32
    %c0_i32_1 = arith.constant 0 : i32
    return %c0_i32, %c0_i32_0 : i32, i32
  }
  func.func @transform_5(%arg0: i32) -> (i32, i32) {
    %c0_i32 = arith.constant 0 : i32
    %c0_i32_0 = arith.constant 0 : i32
    %c0_i32_1 = arith.constant 0 : i32
    return %c0_i32, %c0_i32_0 : i32, i32
  }
  func.func @transform_6(%arg0: i32) -> (i32, i32) {
    %c0_i32 = arith.constant 0 : i32
    %c0_i32_0 = arith.constant 0 : i32
    %c0_i32_1 = arith.constant 0 : i32
    return %c0_i32, %c0_i32_0 : i32, i32
  }
  func.func @transform_7(%arg0: i32) -> (i32, i32) {
    %c0_i32 = arith.constant 0 : i32
    %c0_i32_0 = arith.constant 0 : i32
    %c0_i32_1 = arith.constant 0 : i32
    return %c0_i32, %c0_i32_0 : i32, i32
  }
  func.func @transform_8(%arg0: i32) -> (i32, i32) {
    %c0_i32 = arith.constant 0 : i32
    %c0_i32_0 = arith.constant 0 : i32
    %c0_i32_1 = arith.constant 0 : i32
    return %c0_i32, %c0_i32_0 : i32, i32
  }
  func.func @transform_9(%arg0: i32) -> (i32, i32) {
    %c0_i32 = arith.constant 0 : i32
    %c0_i32_0 = arith.constant 0 : i32
    %c0_i32_1 = arith.constant 0 : i32
    return %c0_i32, %c0_i32_0 : i32, i32
  }
  func.func @transform_10(%arg0: i32) -> (i32, i32) {
    %c0_i32 = arith.constant 0 : i32
    %c0_i32_0 = arith.constant 0 : i32
    %c0_i32_1 = arith.constant 0 : i32
    return %c0_i32, %c0_i32_0 : i32, i32
  }
  func.func @transform_11(%arg0: i32) -> (i32, i32) {
    %add3A = arith.constant 0 : i32
    %add3A_0 = arith.addi %arg0, %add3A : i32
    %c0_i32 = arith.constant 0 : i32
    %c0_i32_1 = arith.constant 0 : i32
    return %c0_i32, %add3A_0 : i32, i32
  }
}

module attributes {stable_mosaic.version = 14 : i64} {
  func.func @_mlp_body_carry(%arg0: i32, %arg1: memref<64x3200xf32, #tpu.memory_space<vmem>>, %arg2: memref<3200x128xf32, #tpu.memory_space<vmem>>, %arg3: memref<64x3200xf32, #tpu.memory_space<vmem>>, %arg4: memref<16x3200xf32, #tpu.memory_space<vmem>>, %arg5: memref<64x128xf32, #tpu.memory_space<vmem>>, %arg6: memref<64x64xf32, #tpu.memory_space<vmem>>, %arg7: memref<64x16xf32, #tpu.memory_space<vmem>>, %arg8: memref<64x64xf32, #tpu.memory_space<vmem>>, %arg9: memref<64x1xf32, #tpu.memory_space<vmem>>, %arg10: memref<64x1xf32, #tpu.memory_space<vmem>>, %arg11: memref<64x1xf32, #tpu.memory_space<vmem>>, %arg12: memref<64x1xf32, #tpu.memory_space<vmem>>, %arg13: memref<64x3200xf32, #tpu.memory_space<vmem>>) attributes {dimension_semantics = [#tpu.dimension_semantics<arbitrary>], iteration_bounds = array<i64: 125>, scalar_prefetch = 0 : i64, scratch_operands = 0 : i64, tpu.core_type = #tpu.core_type<tc>, window_params = [{transform_indices = @transform_0, window_bounds = array<i64: 64, 3200>}, {transform_indices = @transform_1, window_bounds = array<i64: 3200, 128>}, {transform_indices = @transform_2, window_bounds = array<i64: 64, 3200>}, {transform_indices = @transform_3, window_bounds = array<i64: 16, 3200>}, {pipeline_mode = #tpu.pipeline_mode<synchronous>, transform_indices = @transform_4, window_bounds = array<i64: 64, 128>}, {pipeline_mode = #tpu.pipeline_mode<synchronous>, transform_indices = @transform_5, window_bounds = array<i64: 64, 64>}, {pipeline_mode = #tpu.pipeline_mode<synchronous>, transform_indices = @transform_6, window_bounds = array<i64: 64, 16>}, {pipeline_mode = #tpu.pipeline_mode<synchronous>, transform_indices = @transform_7, window_bounds = array<i64: 64, 64>}, {pipeline_mode = #tpu.pipeline_mode<synchronous>, transform_indices = @transform_8, window_bounds = array<i64: 64, 1>}, {pipeline_mode = #tpu.pipeline_mode<synchronous>, transform_indices = @transform_9, window_bounds = array<i64: 64, 1>}, {pipeline_mode = #tpu.pipeline_mode<synchronous>, transform_indices = @transform_10, window_bounds = array<i64: 64, 1>}, {pipeline_mode = #tpu.pipeline_mode<synchronous>, transform_indices = @transform_11, window_bounds = array<i64: 64, 1>}, {transform_indices = @transform_12, window_bounds = array<i64: 64, 3200>}]} {
    %get3A = arith.constant 0 : index
    %get3A_0 = arith.constant 0 : index
    %get3A_1 = vector.load %arg2[%get3A, %get3A_0] : memref<3200x128xf32, #tpu.memory_space<vmem>>, vector<3200x128xf32>
    %get3A_2 = arith.constant 0 : index
    %get3A_3 = arith.constant 0 : index
    %get3A_4 = vector.load %arg3[%get3A_2, %get3A_3] : memref<64x3200xf32, #tpu.memory_space<vmem>>, vector<64x3200xf32>
    %get3A_5 = arith.constant 0 : index
    %get3A_6 = arith.constant 0 : index
    %get3A_7 = vector.load %arg4[%get3A_5, %get3A_6] : memref<16x3200xf32, #tpu.memory_space<vmem>>, vector<16x3200xf32>
    %get3A_8 = arith.constant 0 : index
    %get3A_9 = arith.constant 0 : index
    %get3A_10 = vector.load %arg5[%get3A_8, %get3A_9] : memref<64x128xf32, #tpu.memory_space<vmem>>, vector<64x128xf32>
    %get3A_11 = arith.constant 0 : index
    %get3A_12 = arith.constant 0 : index
    %get3A_13 = vector.load %arg6[%get3A_11, %get3A_12] : memref<64x64xf32, #tpu.memory_space<vmem>>, vector<64x64xf32>
    %get3A_14 = arith.constant 0 : index
    %get3A_15 = arith.constant 0 : index
    %get3A_16 = vector.load %arg7[%get3A_14, %get3A_15] : memref<64x16xf32, #tpu.memory_space<vmem>>, vector<64x16xf32>
    %get3A_17 = arith.constant 0 : index
    %get3A_18 = arith.constant 0 : index
    %get3A_19 = vector.load %arg8[%get3A_17, %get3A_18] : memref<64x64xf32, #tpu.memory_space<vmem>>, vector<64x64xf32>
    %get3A_20 = arith.constant 0 : index
    %get3A_21 = arith.constant 0 : index
    %get3A_22 = vector.load %arg9[%get3A_20, %get3A_21] : memref<64x1xf32, #tpu.memory_space<vmem>>, vector<64x1xf32>
    %get3A_23 = arith.constant 0 : index
    %get3A_24 = arith.constant 0 : index
    %get3A_25 = vector.load %arg10[%get3A_23, %get3A_24] : memref<64x1xf32, #tpu.memory_space<vmem>>, vector<64x1xf32>
    %get3A_26 = arith.constant 0 : index
    %get3A_27 = arith.constant 0 : index
    %get3A_28 = vector.load %arg11[%get3A_26, %get3A_27] : memref<64x1xf32, #tpu.memory_space<vmem>>, vector<64x1xf32>
    %get3A_29 = arith.constant 0 : index
    %get3A_30 = arith.constant 0 : index
    %get3A_31 = vector.load %arg12[%get3A_29, %get3A_30] : memref<64x1xf32, #tpu.memory_space<vmem>>, vector<64x1xf32>
    %dot_general3A = arith.constant dense<0.000000e+00> : vector<64x3200xf32>
    %dot_general3A_32 = tpu.matmul %get3A_10, %get3A_1, %dot_general3A {dimension_numbers = #tpu.dot_dimension_numbers<[1], [1], [0], [0], [0, 0, 1, 0], [], []>, transpose_lhs_hint = false} : vector<64x128xf32>, vector<3200x128xf32>, vector<64x3200xf32> -> vector<64x3200xf32>
    %dot_general3A_33 = arith.constant dense<0.000000e+00> : vector<64x3200xf32>
    %dot_general3A_34 = tpu.matmul %get3A_13, %get3A_4, %dot_general3A_33 {dimension_numbers = #tpu.dot_dimension_numbers<[1], [0], [0], [1], [0, 0, 1, 1], [], []>, transpose_lhs_hint = false} : vector<64x64xf32>, vector<64x3200xf32>, vector<64x3200xf32> -> vector<64x3200xf32>
    %add3A = arith.addf %dot_general3A_32, %dot_general3A_34 : vector<64x3200xf32>
    %dot_general3A_35 = arith.constant dense<0.000000e+00> : vector<64x3200xf32>
    %dot_general3A_36 = tpu.matmul %get3A_16, %get3A_7, %dot_general3A_35 {dimension_numbers = #tpu.dot_dimension_numbers<[1], [0], [0], [1], [0, 0, 1, 1], [], []>, transpose_lhs_hint = false} : vector<64x16xf32>, vector<16x3200xf32>, vector<64x3200xf32> -> vector<64x3200xf32>
    %add3A_37 = arith.addf %add3A, %dot_general3A_36 : vector<64x3200xf32>
    %add3A_38 = vector.broadcast %get3A_22 : vector<64x1xf32> to vector<64x3200xf32>
    %add3A_39 = arith.addf %add3A_37, %add3A_38 : vector<64x3200xf32>
    %logistic3A = arith.negf %add3A_39 : vector<64x3200xf32>
    %logistic3A_40 = math.exp %logistic3A : vector<64x3200xf32>
    %logistic3A_41 = arith.constant 1.000000e+00 : f32
    %logistic3A_42 = vector.broadcast %logistic3A_41 : f32 to vector<64x3200xf32>
    %logistic3A_43 = arith.addf %logistic3A_42, %logistic3A_40 : vector<64x3200xf32>
    %logistic3A_44 = arith.divf %logistic3A_42, %logistic3A_43 : vector<64x3200xf32>
    %mul3A = arith.mulf %add3A_39, %logistic3A_44 : vector<64x3200xf32>
    %dot_general3A_45 = arith.constant dense<0.000000e+00> : vector<64x3200xf32>
    %dot_general3A_46 = tpu.matmul %get3A_19, %mul3A, %dot_general3A_45 {dimension_numbers = #tpu.dot_dimension_numbers<[1], [0], [0], [1], [0, 0, 1, 1], [], []>, transpose_lhs_hint = false} : vector<64x64xf32>, vector<64x3200xf32>, vector<64x3200xf32> -> vector<64x3200xf32>
    %add3A_47 = vector.broadcast %get3A_25 : vector<64x1xf32> to vector<64x3200xf32>
    %add3A_48 = arith.addf %dot_general3A_46, %add3A_47 : vector<64x3200xf32>
    %logistic3A_49 = arith.negf %add3A_48 : vector<64x3200xf32>
    %logistic3A_50 = math.exp %logistic3A_49 : vector<64x3200xf32>
    %logistic3A_51 = arith.constant 1.000000e+00 : f32
    %logistic3A_52 = vector.broadcast %logistic3A_51 : f32 to vector<64x3200xf32>
    %logistic3A_53 = arith.addf %logistic3A_52, %logistic3A_50 : vector<64x3200xf32>
    %logistic3A_54 = arith.divf %logistic3A_52, %logistic3A_53 : vector<64x3200xf32>
    %mul3A_55 = arith.mulf %add3A_48, %logistic3A_54 : vector<64x3200xf32>
    %add3A_56 = arith.addf %get3A_4, %mul3A_55 : vector<64x3200xf32>
    %reduce_sum3A = arith.constant dense<0.000000e+00> : vector<3200xf32>
    %reduce_sum3A_57 = vector.multi_reduction <add>, %add3A_56, %reduce_sum3A [0] : vector<64x3200xf32> to vector<3200xf32>
    %broadcast_in_dim3A = vector.shape_cast %reduce_sum3A_57 : vector<3200xf32> to vector<1x3200xf32>
    %div3A = arith.constant 6.400000e+01 : f32
    %div3A_58 = vector.broadcast %div3A : f32 to vector<1x3200xf32>
    %div3A_59 = arith.divf %broadcast_in_dim3A, %div3A_58 : vector<1x3200xf32>
    %sub3A = vector.broadcast %div3A_59 : vector<1x3200xf32> to vector<64x3200xf32>
    %sub3A_60 = arith.subf %add3A_56, %sub3A : vector<64x3200xf32>
    %mul3A_61 = arith.mulf %sub3A_60, %sub3A_60 : vector<64x3200xf32>
    %reduce_sum3A_62 = arith.constant dense<0.000000e+00> : vector<3200xf32>
    %reduce_sum3A_63 = vector.multi_reduction <add>, %mul3A_61, %reduce_sum3A_62 [0] : vector<64x3200xf32> to vector<3200xf32>
    %broadcast_in_dim3A_64 = vector.shape_cast %reduce_sum3A_63 : vector<3200xf32> to vector<1x3200xf32>
    %div3A_65 = arith.constant 6.400000e+01 : f32
    %div3A_66 = vector.broadcast %div3A_65 : f32 to vector<1x3200xf32>
    %div3A_67 = arith.divf %broadcast_in_dim3A_64, %div3A_66 : vector<1x3200xf32>
    %add3A_68 = arith.constant 9.99999974E-6 : f32
    %add3A_69 = vector.broadcast %add3A_68 : f32 to vector<1x3200xf32>
    %add3A_70 = arith.addf %div3A_67, %add3A_69 : vector<1x3200xf32>
    %rsqrt3A = math.rsqrt %add3A_70 : vector<1x3200xf32>
    %mul3A_71 = vector.broadcast %rsqrt3A : vector<1x3200xf32> to vector<64x3200xf32>
    %mul3A_72 = arith.mulf %sub3A_60, %mul3A_71 : vector<64x3200xf32>
    %mul3A_73 = vector.broadcast %get3A_28 : vector<64x1xf32> to vector<64x3200xf32>
    %mul3A_74 = arith.mulf %mul3A_72, %mul3A_73 : vector<64x3200xf32>
    %add3A_75 = vector.broadcast %get3A_31 : vector<64x1xf32> to vector<64x3200xf32>
    %add3A_76 = arith.addf %mul3A_74, %add3A_75 : vector<64x3200xf32>
    %swap3A = arith.constant 0 : index
    %swap3A_77 = arith.constant 0 : index
    %swap3A_78 = vector.load %arg13[%swap3A, %swap3A_77] : memref<64x3200xf32, #tpu.memory_space<vmem>>, vector<64x3200xf32>
    tpu.vector_store %arg13[%swap3A, %swap3A_77], %add3A_76 {strides = array<i32>} : memref<64x3200xf32, #tpu.memory_space<vmem>>, vector<64x3200xf32>,
    return
  }
  func.func @transform_0(%arg0: i32) -> (i32, i32) {
    %c0_i32 = arith.constant 0 : i32
    %c0_i32_0 = arith.constant 0 : i32
    %c0_i32_1 = arith.constant 0 : i32
    return %c0_i32, %c0_i32_0 : i32, i32
  }
  func.func @transform_1(%arg0: i32) -> (i32, i32) {
    %c0_i32 = arith.constant 0 : i32
    %c0_i32_0 = arith.constant 0 : i32
    return %arg0, %c0_i32 : i32, i32
  }
  func.func @transform_2(%arg0: i32) -> (i32, i32) {
    %add3A = arith.constant 125 : i32
    %add3A_0 = arith.addi %arg0, %add3A : i32
    %c0_i32 = arith.constant 0 : i32
    %c0_i32_1 = arith.constant 0 : i32
    return %c0_i32, %add3A_0 : i32, i32
  }
  func.func @transform_3(%arg0: i32) -> (i32, i32) {
    %add3A = arith.constant 125 : i32
    %add3A_0 = arith.addi %arg0, %add3A : i32
    %c0_i32 = arith.constant 0 : i32
    %c0_i32_1 = arith.constant 0 : i32
    return %c0_i32, %add3A_0 : i32, i32
  }
  func.func @transform_4(%arg0: i32) -> (i32, i32) {
    %c0_i32 = arith.constant 0 : i32
    %c0_i32_0 = arith.constant 0 : i32
    %c0_i32_1 = arith.constant 0 : i32
    return %c0_i32, %c0_i32_0 : i32, i32
  }
  func.func @transform_5(%arg0: i32) -> (i32, i32) {
    %c0_i32 = arith.constant 0 : i32
    %c0_i32_0 = arith.constant 0 : i32
    %c0_i32_1 = arith.constant 0 : i32
    return %c0_i32, %c0_i32_0 : i32, i32
  }
  func.func @transform_6(%arg0: i32) -> (i32, i32) {
    %c0_i32 = arith.constant 0 : i32
    %c0_i32_0 = arith.constant 0 : i32
    %c0_i32_1 = arith.constant 0 : i32
    return %c0_i32, %c0_i32_0 : i32, i32
  }
  func.func @transform_7(%arg0: i32) -> (i32, i32) {
    %c0_i32 = arith.constant 0 : i32
    %c0_i32_0 = arith.constant 0 : i32
    %c0_i32_1 = arith.constant 0 : i32
    return %c0_i32, %c0_i32_0 : i32, i32
  }
  func.func @transform_8(%arg0: i32) -> (i32, i32) {
    %c0_i32 = arith.constant 0 : i32
    %c0_i32_0 = arith.constant 0 : i32
    %c0_i32_1 = arith.constant 0 : i32
    return %c0_i32, %c0_i32_0 : i32, i32
  }
  func.func @transform_9(%arg0: i32) -> (i32, i32) {
    %c0_i32 = arith.constant 0 : i32
    %c0_i32_0 = arith.constant 0 : i32
    %c0_i32_1 = arith.constant 0 : i32
    return %c0_i32, %c0_i32_0 : i32, i32
  }
  func.func @transform_10(%arg0: i32) -> (i32, i32) {
    %c0_i32 = arith.constant 0 : i32
    %c0_i32_0 = arith.constant 0 : i32
    %c0_i32_1 = arith.constant 0 : i32
    return %c0_i32, %c0_i32_0 : i32, i32
  }
  func.func @transform_11(%arg0: i32) -> (i32, i32) {
    %c0_i32 = arith.constant 0 : i32
    %c0_i32_0 = arith.constant 0 : i32
    %c0_i32_1 = arith.constant 0 : i32
    return %c0_i32, %c0_i32_0 : i32, i32
  }
  func.func @transform_12(%arg0: i32) -> (i32, i32) {
    %add3A = arith.constant 125 : i32
    %add3A_0 = arith.addi %arg0, %add3A : i32
    %c0_i32 = arith.constant 0 : i32
    %c0_i32_1 = arith.constant 0 : i32
    return %c0_i32, %add3A_0 : i32, i32
  }
}

</mosaic_0001>

<sc_bundles>
// kernel: kernel.6.cloned.1.call-start
scs
__scs_entry_jumppad:
0x0: {  	(pc) =	sbr.rel $0x88, $3  }
0x1: {  	(tag) =	ssettag $0x0;
	lr =	simm.s32 $0x1  }
0x2: {  	[smem:$0x3F97] =	sst lr;
	_ =	strace $0xD0000000  }
0x3: {  	_ = 	snop  }
0x4: {  	_ = 	snop  }
0x5: {  	_ = 	snop  }
0x6: {  	_ = 	snop  }
0x7: {  	_ = 	snop  }
__scs_overlays_trampoline_lowered:
0x8: {  	[smem:$0x3FA6] =	sst s0  }
0x9: {  	[smem:$0x3FA7] =	sst s1  }
0xa: {  	[smem:$0x3FA8] =	sst s2  }
0xb: {  	[smem:$0x3FA9] =	sst s3  }
0xc: {  	[smem:$0x3FAA] =	sst s4  }
0xd: {  	[smem:$0x3FAB] =	sst s5  }
0xe: {  	[smem:$0x3FAC] =	sst s6  }
0xf: {  	[smem:$0x3FAD] =	sst s7  }
0x10: {  	[smem:$0x3FAE] =	sst s8  }
0x11: {  	[smem:$0x3FAF] =	sst s9;
	s0 =	simm.s32 @!p0 $0x0  }
0x12: {  	s1 =	sld [smem:$0x3F95];
	s0 =	simm.s32 @p0 $0x1  }
0x13: {  	[smem:$0x3FB0] =	sst s0;
	s0 =	simm.s32 @!p1 $0x0  }
0x14: {  	s2 =	sld [smem:$0x3F94];
	s0 =	simm.s32 @p1 $0x1  }
0x15: {  	[smem:$0x3FB1] =	sst s0;
	s0 =	simm.s32 @!p2 $0x0  }
0x16: {  	s3 =	sld [smem:$0x3FDB];
	s0 =	simm.s32 @p2 $0x1  }
0x17: {  	s4 =	simm.s32 $0x1BF5;
	[smem:$0x3FB3] =	sst s0  }
0x18: {  	s0 =	sld [smem:$0x3F96];
	_ =	swait.ge [sflag:s4], $0x0  }
0x19: {  	s7 =	sld [smem:$0x3F97]  }
0x1a: {  	s8 =	sadd.s32 $0xFFFFE003, lr  }
0x1b: {  	s9 =	sadd.s32 $0xFFFFFEF7, lr;
	s5 =	simm.s32 $0xFFFFFFFF;
	p2 =	slt.u32 s8, $0xFFFFF086  }
0x1c: {  	p1 =	slt.u32 s9, $0xF7A;
	s5 =	simm.s32 @!p2 $0x0  }
0x1d: {  	s5 =	simm.s32 @p1 $0x1;
	p0 =	seq.s32 s7, s2  }
0x1e: {  	s7 =	smul.u32 @!p0 $0xF7A, s2;
	p2 =	seq.s32 @!p0 s5, $0x0  }
0x1f: {  	s9 =	smul.u32 $0xF7A, s1;
	s8 =	simm.s32 @!p0 $0x1BF5;
	p2 =	por !p2, p0  }
0x20: {  	[sflag:s8] =	ssyncset.s32 @!p0 $0xFFFFF086;
	s6 =	sadd.s32 @!p0 s3, s7;
	s7 =	simm.s32 @!p0 $0x108  }
0x21: {  	s3 =	sadd.s32 s3, s9;
	s6 =	sadd.s32 @!p0 $0x88, s6;
	s7 =	simm.s32 @p2 $0x1082  }
0x22: {  	[simem:s7], [sflag:s8] =	dma.local @!p0 [hbm:s6], $0xF7A  }
0x23: {  	s9 =	sor.u32 $0xD0000000, s2;
	s6 =	simm.s32 $0x108;
	_ =	swait.ge @!p0 [sflag:s8], $0x0  }
0x24: {  	s3 =	sadd.s32 $0x88, s3;
	s6 =	simm.s32 @!p1 $0x1082;
	[sflag:s4] =	ssyncset.s32 $0xFFFFF086  }
0x25: {  	[simem:s6], [sflag:s4] =	dma.local [hbm:s3], $0xF7A  }
0x26: {  	[smem:$0x3F97] =	sst s1;
	(tag) =	ssettag s2;
	_ =	strace s9  }
0x27: {  	s1 =	sld [smem:$0x3FA7]  }
0x28: {  	s2 =	sld [smem:$0x3FA8]  }
0x29: {  	s4 =	sld [smem:$0x3FAA]  }
0x2a: {  	p0 =	seq.s32 s5, $0x0;
	s5 =	sld [smem:$0x3FAB]  }
0x2b: {  	s6 =	sld [smem:$0x3FAC]  }
0x2c: {  	s7 =	sld [smem:$0x3FAD]  }
0x2d: {  	s3 =	simm.s32 $0x108;
	s8 =	sld [smem:$0x3FAE]  }
0x2e: {  	s3 =	simm.s32 @!p0 $0x1082;
	s9 =	sld [smem:$0x3FAF]  }
0x2f: {  	lr =	sadd.s32 s0, s3;
	s0 =	sld [smem:$0x3FA6]  }
0x30: {  	s3 =	sld [smem:$0x3FA9]  }
0x31: {  	[smem:$0x3FB2] =	sst s10  }
0x32: {  	s10 =	sld [smem:$0x3FB0];
	_ =	sdelay $0x3  }
0x33: {  	p0 =	seq.s32 s10, $0x1;
	s10 =	sld [smem:$0x3FB2];
	_ =	sdelay $0x3  }
0x34: {  	[smem:$0x3FB2] =	sst s10  }
0x35: {  	s10 =	sld [smem:$0x3FB1];
	_ =	sdelay $0x3  }
0x36: {  	p1 =	seq.s32 s10, $0x1;
	s10 =	sld [smem:$0x3FB2];
	_ =	sdelay $0x3  }
0x37: {  	[smem:$0x3FB2] =	sst s10  }
0x38: {  	s10 =	sld [smem:$0x3FB3]  }
0x39: {  	_ = 	snop;
	(pc) =	sbr.ind lr, $3  }
0x3a: {  	_ = 	snop  }
0x3b: {  	_ = 	snop  }
0x3c: {  	p2 =	seq.s32 s10, $0x1;
	s10 =	sld [smem:$0x3FB2]  }
0x3d: {  	_ =	shalt  }
0x3e: {  	_ =	shalt  }
0x3f: {  	_ =	shalt  }
0x40: {  	_ =	shalt  }
0x41: {  	_ =	shalt  }
0x42: {  	_ =	shalt  }
0x43: {  	_ =	shalt  }
0x44: {  	_ =	shalt  }
0x45: {  	_ =	shalt  }
0x46: {  	_ =	shalt  }
0x47: {  	_ =	shalt  }
0x48: {  	_ =	shalt  }
0x49: {  	_ =	shalt  }
0x4a: {  	_ =	shalt  }
0x4b: {  	_ =	shalt  }
0x4c: {  	_ =	shalt  }
0x4d: {  	_ =	shalt  }
0x4e: {  	_ =	shalt  }
0x4f: {  	_ =	shalt  }
0x50: {  	_ =	shalt  }
0x51: {  	_ =	shalt  }
0x52: {  	_ =	shalt  }
0x53: {  	_ =	shalt  }
0x54: {  	_ =	shalt  }
0x55: {  	_ =	shalt  }
0x56: {  	_ =	shalt  }
0x57: {  	_ =	shalt  }
0x58: {  	_ =	shalt  }
0x59: {  	_ =	shalt  }
0x5a: {  	_ =	shalt  }
0x5b: {  	_ =	shalt  }
0x5c: {  	_ =	shalt  }
0x5d: {  	_ =	shalt  }
0x5e: {  	_ =	shalt  }
0x5f: {  	_ =	shalt  }
0x60: {  	_ =	shalt  }
0x61: {  	_ =	shalt  }
0x62: {  	_ =	shalt  }
0x63: {  	_ =	shalt  }
0x64: {  	_ =	shalt  }
0x65: {  	_ =	shalt  }
0x66: {  	_ =	shalt  }
0x67: {  	_ =	shalt  }
0x68: {  	_ =	shalt  }
0x69: {  	_ =	shalt  }
0x6a: {  	_ =	shalt  }
0x6b: {  	_ =	shalt  }
0x6c: {  	_ =	shalt  }
0x6d: {  	_ =	shalt  }
0x6e: {  	_ =	shalt  }
0x6f: {  	_ =	shalt  }
0x70: {  	_ =	shalt  }
0x71: {  	_ =	shalt  }
0x72: {  	_ =	shalt  }
0x73: {  	_ =	shalt  }
0x74: {  	_ =	shalt  }
0x75: {  	_ =	shalt  }
0x76: {  	_ =	shalt  }
0x77: {  	_ =	shalt  }
0x78: {  	_ =	shalt  }
0x79: {  	_ =	shalt  }
0x7a: {  	_ =	shalt  }
0x7b: {  	_ =	shalt  }
0x7c: {  	_ =	shalt  }
0x7d: {  	_ =	shalt  }
0x7e: {  	_ =	shalt  }
0x7f: {  	_ =	shalt  }
0x80: {  	_ =	shalt  }
0x81: {  	_ =	shalt  }
0x82: {  	_ =	shalt  }
0x83: {  	_ =	shalt  }
0x84: {  	_ =	shalt  }
0x85: {  	_ =	shalt  }
0x86: {  	_ =	shalt  }
0x87: {  	_ =	shalt  }
.Lfunc_end0:
.L_simem_size_0:
called_computation_lowered:
.L_overlay_start_0:
0x88: {  	s2 =	sld [smem:$0x3FD9]  }
0x89: {  	s3 =	sld [smem:$0x3FFE];
	_ =	sdelay $0x1  }
0x8a: {  	s1 =	srdreg.scid  }
0x8b: {  	s0 =	sand.u32 $0x1, s1  }
0x8c: {  	s17 =	sshll.u32 s0, $0xA;
	s2 =	sadd.s32 s3, s2  }
0x8d: {  	s2 =	sadd.s32 s2, s17  }
0x8e: {  	[smem:$0x3FBE] =	sst s2  }
0x8f: {  	_ = 	snop  }
0x90: {  	s2 =	sld [smem:$0x3FD0];
	(tm) =	ssettm $0x1  }
0x91: {  	s18 =	sld [smem:$0x3FFB];
	_ =	sdelay $0x3  }
0x92: {  	_ =	strace s18  }
0x93: {  	s3 =	sld [smem:$0x3FFC];
	_ =	sdelay $0x3  }
0x94: {  	_ =	strace s3  }
0x95: {  	s3 =	sld [smem:$0x3FFD];
	_ =	sdelay $0x3  }
0x96: {  	_ =	strace s3  }
0x97: {  	_ =	strace $0x8FFFFFFF  }
0x98: {  	s19 =	sld [smem:$0x3FDB];
	_ =	sdelay $0x1  }
0x99: {  	s4 =	simm.s32 $_scs_section_size  }
0x9a: {  	s5 =	simm.s32 $_size__tile_overlayer_lowered;
	s6 =	simm.s32 $_tile_overlayer_lowered  }
0x9b: {  	s22 =	simm.s32 $0x1BFF;
	s21 =	sshll.u32 s6, $0x1;
	s3 =	sadd.s32 s4, s19  }
0x9c: {  	s7 =	simm.s32 $0x0;
	s20 =	sshll.u32 s5, $0x1;
	s5 =	sadd.s32 s21, s3  }
0x9d: {  	[timem:s7], [sflag:s22] =	dma.local [hbm:s5], s20  }
0x9e: {  	_ =	swait.ge [sflag:s22], s20  }
0x9f: {  	s4 =	ssub.s32 $0x0, s20;
	[sflag:s22] =	ssyncset.done $0x0  }
0xa0: {  	[sflag:s22] =	ssyncadd.s32 s4;
	_ =	sdelay $0x1  }
0xa1: {  	s23 =	simm.s32 $0x1B8B  }
0xa2: {  	_ =	swait.ge [sflag:s23], $0x1  }
0xa3: {  	[sflag:s23] =	ssyncset.done $0x0  }
0xa4: {  	s25 =	simm.s32 $0x1B8E;
	s24 =	sld [smem:$0x3FFE];
	[sflag:s23] =	ssyncadd.s32 $0xFFFFFFFF  }
0xa5: {  	s26 =	simm.s32 $execute0_lowered;
	[smem:$0x3FD2] =	sst s25  }
0xa6: {  	s5 =	sshll.u32 s26, $0x1;
	_ =	strace $0x80000046;
	[dreg:$0x1] =	wrdreg $0xFFFFFFFF  }
0xa7: {  	s28 =	simm.s32 $_size_execute0_lowered;
	s3 =	sadd.s32 s3, s5;
	[dreg:$0x0] =	wrdreg $0x0  }
0xa8: {  	s5 =	sshll.u32 s28, $0x1;
	[dreg:$0x2] =	wrdreg s3  }
0xa9: {  	[dreg:$0x3] =	wrdreg s5  }
0xaa: {  	[dreg:$0x4] =	wrdreg $0xC0  }
0xab: {  	_ =	task [dreg:s7], $0x5FFFF  }
0xac: {  	[dreg:$0x1] =	wrdreg $0xFFFFFFFF  }
0xad: {  	[dreg:$0x0] =	wrdreg $0x60  }
0xae: {  	[dreg:$0x2] =	wrdreg s24  }
0xaf: {  	[dreg:$0x3] =	wrdreg s2  }
0xb0: {  	[dreg:$0x4] =	wrdreg $0x9  }
0xb1: {  	_ =	task.clear_ibuf [dreg:s7], $0x5FFFF;
	_ =	strace $0x90000046  }
0xb2: {  	s29 =	simm.s32 $0x9;
	_ =	strace $0x80000048  }
0xb3: {  	_ =	swait.ge [sflag:s29], $0x1  }
0xb4: {  	[sflag:s29] =	ssyncadd.s32 $0xFFFFFFFF  }
0xb5: {  	_ =	strace $0x90000048  }
0xb6: {  	_ =	sfence  }
0xb7: {  	s30 =	sld [smem:$0x0];
	_ =	sdelay $0x2  }
0xb8: {  	s31 =	sshll.u32 s1, $0xD;
	s1 =	sshrl.u32 s1, $0x2  }
0xb9: {  	s3 =	sand.u32 $0x4000, s31;
	s1 =	sadd.s32 s1, s30  }
0xba: {  	s0 =	sor.u32 s3, s0;
	s1 =	sshll.u32 s1, $0x11  }
0xbb: {  	s0 =	sor.u32 s1, s0  }
0xbc: {  	s0 =	sadd.s32 $0x8F2B, s0  }
0xbd: {  	[sflag:s0] =	ssyncadd.remote.s32 $0x1  }
0xbe: {  	_ =	sfence.sel $0xFFFF  }
0xbf: {  	[dreg:$0x0] =	wrdreg $0xFFFFFFFF;
	(pc) =	sbr.abs _section_cstart, $3  }
0xc0: {  	[dreg:$0x1] =	wrdreg $0xFFFFFFFF  }
0xc1: {  	_ =	task.clear_ibuf [dreg:s7], $0x2FFFF;
	_ =	strace $0x9FFFFFFF  }
0xc2: {  	(tm) =	ssettm $0x7FFFFFFF  }
0xc3: {  	_ =	shalt  }
tec
execute0_lowered:
.L_overlay_start_1:
0x0: {  	(tag) =	ssettag $0x1  }
0x1: {  	s0 =	rddreg [dreg:$0x0]  }
0x2: {  	s1 =	rddreg [dreg:$0x1]  }
0x3: {  	s2 =	simm.s32 $0x0;
	s3 =	srdreg.scid;
	s10 =	stileid.u32  }
0x4: {  	s11 =	simm.s32 $0x9;
	s12 =	simm.s32 $0x6200;
	s13 =	simm.s32 $0x80  }
0x5: {  	s14 =	simm.s32 $0xC400;
	s16 =	simm.s32 $0xE400;
	s18 =	simm.s32 $0x10400  }
0x6: {  	s19 =	simm.s32 $0x1;
	s20 =	simm.s32 $0x12400;
	s21 =	simm.s32 $0x2  }
0x7: {  	s22 =	simm.s32 $0x5;
	s23 =	simm.s32 $0x3;
	s24 =	simm.s32 $0x6  }
0x8: {  	s28 =	simm.s32 $0x8;
	s29 =	simm.s32 $0x0;
	s4 =	smul.u32 $0x188, s10  }
0x9: {  	[smem:$0x7FF] =	sst s2;
	s6 =	sand.u32 $0x1, s3;
	s30 =	smul.u32 $0x62000, s10  }
0xa: {  	s25 =	sshll.u32 s10, $0x1;
	s3 =	sadd.s32 $0x1C00, s0;
	s8 =	smul.u32 $0xC4, s6  }
0xb: {  	s5 =	ssub.s32 $0x2, s6;
	s7 =	sor.u32 s6, s25;
	s6 =	smul.u32 $0x31000, s6  }
0xc: {  	v0 =	vlaneseq.u32;
	s0 =	sadd.s32 $0x63800, s0;
	_ =	strace $0x80000047;
	s7 =	smul.u32 $0x620, s7  }
.Ltmp0:
0xd: {  	v1 =	vand.u32 $0x3, v0;
	s25 =	simm.s32 $0x4;
	s9 =	sshrl.u32 s5, $0x1;
	(pc) =	sbr.rel .LBB2_1-.Ltmp0, $4  }
0xe: {  	v0 =	vmul.u32 $0x2, v0;
	v5 =	vmul.u32 $0x2, v1;
	s5 =	ssub.s32 s5, s9;
	s8 =	sadd.s32 s8, s4;
	s1 =	sadd.s32 s1, s7  }
0xf: {  	s26 =	sshll.u32 s8, $0xA;
	s5 =	smax.u32 s5, $0x1;
	[dreg:$0x3] =	wrdreg s1  }
0x10: {  	v2 =	vor.u32 $0x1, v0;
	v1 =	vor.u32 $0xFFFFFF98, v5;
	s31 =	sadd.s32 s26, s0;
	s0 =	sadd.s32 s30, s0;
	s26 =	simm.s32 $0x7  }
0x11: {  	v3 =	vor.u32 $0xFFFFFFB8, v5;
	v4 =	vor.u32 $0xFFFFFFD8, v5;
	v5 =	vor.u32 $0xFFFFFFF8, v5;
	s1 =	sadd.s32 $0x800, s31;
	s7 =	sadd.s32 $0xC00, s31;
	s8 =	sadd.s32 s6, s0  }
.LBB2_6:
0x12: {  	s29 =	sadd.s32 $0x1, s29  }
0x13: {  	p0 =	sne.s32 s29, s5  }
.Ltmp1:
0x14: {  	_ = 	snop;
	(pc) =	sbr.rel @!p0 .LBB2_7-.Ltmp1, $4  }
0x15: {  	_ = 	snop  }
0x16: {  	_ =	swait.ge [sflag:s28], $0x2000  }
0x17: {  	[sflag:s28] =	ssyncset.done $0x0  }
0x18: {  	[sflag:s28] =	ssyncadd.s32 $0xFFFFE000  }
.LBB2_1:
0x19: {  	s0 =	rddreg [dreg:$0x3];
	s4 =	simm.s32 $0x3100;
	s6 =	simm.s32 $0x62000  }
0x1a: {  	[tilespmem:s2], [sflag:$0x9] =	stream.strided.gather [hbm4b:s0+s4], $0x6200, s6, s4, $0x38;
	[tilespmem:$0x14400] =	vst v63  }
0x1b: {  	_ =	swait.ge [sflag:s11], $0x6200  }
0x1c: {  	s9 =	simm.s32 $0x0;
	[sflag:s11] =	ssyncset.done $0x0  }
0x1d: {  	s30 =	simm.s32 $0x3130;
	v6 =	vor.u32 s9, v0;
	[sflag:s11] =	ssyncadd.s32 $0xFFFF9E00  }
0x1e: {  	v6 =	vand.u32 v1, v6;
	v7 =	vld [tilespmem:s30+$0xFFFFCED0];
	_ =	sdelay $0x4  }
0x1f: {  	[tilespmem:v6+s12+$0x0] =	vst.idx.msk $0xffff, v7  }
0x20: {  	v7 =	vor.u32 s9, v2;
	v6 =	vld [tilespmem:s30+$0xFFFFFFD0];
	_ =	sdelay $0x3  }
0x21: {  	s10 =	simm.s32 $0x20  }
0x22: {  	[tilespmem:v7+s12+$0x0] =	vst.idx.msk $0xffff, v6;
	v6 =	vor.u32 s10, v0  }
0x23: {  	v7 =	vld [tilespmem:s30+$0xFFFFCEE0];
	v6 =	vand.u32 v3, v6;
	_ =	sdelay $0x4  }
0x24: {  	[tilespmem:v6+s12+$0x0] =	vst.idx.msk $0xffff, v7  }
0x25: {  	v7 =	vor.u32 s10, v2;
	v6 =	vld [tilespmem:s30+$0xFFFFFFE0];
	_ =	sdelay $0x3  }
0x26: {  	s15 =	simm.s32 $0x40  }
0x27: {  	[tilespmem:v7+s12+$0x0] =	vst.idx.msk $0xffff, v6;
	v6 =	vor.u32 s15, v0  }
0x28: {  	v7 =	vld [tilespmem:s30+$0xFFFFCEF0];
	v6 =	vand.u32 v4, v6;
	_ =	sdelay $0x4  }
0x29: {  	[tilespmem:v6+s12+$0x0] =	vst.idx.msk $0xffff, v7  }
0x2a: {  	v7 =	vor.u32 s15, v2;
	v6 =	vld [tilespmem:s30+$0xFFFFFFF0];
	_ =	sdelay $0x3  }
0x2b: {  	s17 =	simm.s32 $0x60  }
0x2c: {  	[tilespmem:v7+s12+$0x0] =	vst.idx.msk $0xffff, v6;
	v6 =	vor.u32 s17, v0  }
0x2d: {  	v7 =	vld [tilespmem:s30+$0xFFFFCF00];
	v6 =	vand.u32 v5, v6;
	_ =	sdelay $0x4  }
0x2e: {  	[tilespmem:v6+s12+$0x0] =	vst.idx.msk $0xffff, v7  }
0x2f: {  	v7 =	vor.u32 s17, v2;
	v6 =	vld [tilespmem:s30+$0x0];
	_ =	sdelay $0x3  }
0x30: {  	s31 =	simm.s32 $0xE0;
	s6 =	simm.s32 $0x80;
	s0 =	simm.s32 $0x160  }
.LBB2_2:
0x31: {  	p0 =	sne.s32 s0, $0x61E0;
	v8 =	vor.u32 s6, v0;
	[tilespmem:v7+s12+$0x0] =	vst.idx.msk $0xffff, v6;
	s30 =	sadd.s32 $0x40, s30  }
0x32: {  	v6 =	vld [tilespmem:s30+$0xFFFFCED0];
	v7 =	vand.u32 v1, v8;
	_ =	sdelay $0x4  }
0x33: {  	[tilespmem:v7+s12+$0x0] =	vst.idx.msk $0xffff, v6  }
0x34: {  	v7 =	vor.u32 s6, v2;
	v6 =	vld [tilespmem:s30+$0xFFFFFFD0];
	_ =	sdelay $0x3  }
0x35: {  	s6 =	sadd.s32 $0xFFFFFFC0, s31  }
0x36: {  	[tilespmem:v7+s12+$0x0] =	vst.idx.msk $0xffff, v6;
	v6 =	vor.u32 s6, v0  }
0x37: {  	v7 =	vld [tilespmem:s30+$0xFFFFCEE0];
	v6 =	vand.u32 v3, v6;
	_ =	sdelay $0x4  }
0x38: {  	[tilespmem:v6+s12+$0x0] =	vst.idx.msk $0xffff, v7  }
0x39: {  	v7 =	vor.u32 s6, v2;
	v6 =	vld [tilespmem:s30+$0xFFFFFFE0];
	_ =	sdelay $0x3  }
0x3a: {  	s6 =	sadd.s32 $0xFFFFFFE0, s31  }
0x3b: {  	[tilespmem:v7+s12+$0x0] =	vst.idx.msk $0xffff, v6;
	v6 =	vor.u32 s6, v0  }
0x3c: {  	v7 =	vld [tilespmem:s30+$0xFFFFCEF0];
	v6 =	vand.u32 v4, v6;
	_ =	sdelay $0x4  }
0x3d: {  	[tilespmem:v6+s12+$0x0] =	vst.idx.msk $0xffff, v7  }
0x3e: {  	v7 =	vor.u32 s6, v2;
	v6 =	vld [tilespmem:s30+$0xFFFFFFF0];
	_ =	sdelay $0x4  }
0x3f: {  	[tilespmem:v7+s12+$0x0] =	vst.idx.msk $0xffff, v6;
	v6 =	vor.u32 s31, v0  }
0x40: {  	v7 =	vld [tilespmem:s30+$0xFFFFCF00];
	v6 =	vand.u32 v5, v6;
	_ =	sdelay $0x4  }
0x41: {  	[tilespmem:v6+s12+$0x0] =	vst.idx.msk $0xffff, v7  }
.Ltmp2:
0x42: {  	v7 =	vor.u32 s31, v2;
	s31 =	smov.u32 s0;
	v6 =	vld [tilespmem:s30+$0x0];
	(pc) =	sbr.rel @p0 .LBB2_2-.Ltmp2, $2  }
0x43: {  	_ =	sdelay $0x2  }
0x44: {  	s0 =	sadd.s32 $0x80, s0;
	s6 =	sadd.s32 $0xFFFFFFA0, s31  }
0x45: {  	_ =	sdelay $0x3  }
0x46: {  	v8 =	vor.u32 s6, v0;
	[tilespmem:v7+s12+$0x0] =	vst.idx.msk $0xffff, v6;
	s0 =	sadd.s32 $0x40, s30  }
0x47: {  	v6 =	vld [tilespmem:s0+$0xFFFFCED0];
	v7 =	vand.u32 v1, v8;
	_ =	sdelay $0x4  }
0x48: {  	[tilespmem:v7+s12+$0x0] =	vst.idx.msk $0xffff, v6  }
0x49: {  	v7 =	vor.u32 s6, v2;
	v6 =	vld [tilespmem:s0+$0xFFFFFFD0];
	_ =	sdelay $0x3  }
0x4a: {  	s9 =	sadd.s32 $0xFFFFFFC0, s31  }
0x4b: {  	[tilespmem:v7+s12+$0x0] =	vst.idx.msk $0xffff, v6;
	v6 =	vor.u32 s9, v0  }
0x4c: {  	v7 =	vld [tilespmem:s0+$0xFFFFCEE0];
	v6 =	vand.u32 v3, v6;
	_ =	sdelay $0x4  }
0x4d: {  	[tilespmem:v6+s12+$0x0] =	vst.idx.msk $0xffff, v7  }
0x4e: {  	v7 =	vor.u32 s9, v2;
	v6 =	vld [tilespmem:s0+$0xFFFFFFE0];
	_ =	sdelay $0x3  }
0x4f: {  	s10 =	sadd.s32 $0xFFFFFFE0, s31  }
0x50: {  	[tilespmem:v7+s12+$0x0] =	vst.idx.msk $0xffff, v6;
	v6 =	vor.u32 s10, v0  }
0x51: {  	v7 =	vld [tilespmem:s0+$0xFFFFCEF0];
	v6 =	vand.u32 v4, v6;
	_ =	sdelay $0x4  }
0x52: {  	[tilespmem:v6+s12+$0x0] =	vst.idx.msk $0xffff, v7  }
0x53: {  	v7 =	vor.u32 s10, v2;
	v6 =	vld [tilespmem:s0+$0xFFFFFFF0];
	_ =	sdelay $0x4  }
0x54: {  	[tilespmem:v7+s12+$0x0] =	vst.idx.msk $0xffff, v6;
	v6 =	vor.u32 s31, v0  }
0x55: {  	v7 =	vld [tilespmem:s0+$0xFFFFCF00];
	v6 =	vand.u32 v5, v6;
	_ =	sdelay $0x4  }
0x56: {  	[tilespmem:v6+s12+$0x0] =	vst.idx.msk $0xffff, v7  }
0x57: {  	v7 =	vor.u32 s31, v2;
	v6 =	vld [tilespmem:s0+$0x0];
	_ =	sdelay $0x4  }
0x58: {  	[tilespmem:v7+s12+$0x0] =	vst.idx.msk $0xffff, v6  }
0x59: {  	[tilespmem:s14], [sflag:$0x1] =	stream.indirect.gather [hbm4b:s3+s13], $0x40, s12, s13, $0xb8;
	[tilespmem:$0x14400] =	vst v63  }
0x5a: {  	s15 =	simm.s32 $0x6280;
	s17 =	simm.s32 $0x6300;
	s30 =	smov.u32 s8  }
0x5b: {  	[tilespmem:s16], [sflag:$0x2] =	stream.indirect.gather [hbm4b:s3+s13], $0x40, s15, s13, $0xb8;
	[tilespmem:$0x14400] =	vst v63  }
0x5c: {  	s6 =	smov.u32 s1;
	s31 =	smov.u32 s7;
	s0 =	simm.s32 $0x0  }
0x5d: {  	[tilespmem:s18], [sflag:$0x3] =	stream.indirect.gather [hbm4b:s3+s13], $0x40, s17, s13, $0xb8;
	[tilespmem:$0x14400] =	vst v63  }
.LBB2_4:
0x5e: {  	_ =	swait.ge [sflag:s19], $0x2000  }
0x5f: {  	p0 =	seq.s32 s0, $0x0;
	[sflag:s19] =	ssyncset.done $0x0  }
0x60: {  	s10 =	simm.s32 @!p0 $0x8;
	[sflag:s19] =	ssyncadd.s32 $0xFFFFE000  }
0x61: {  	[hbm4b:s30+s2] =	stream.linear.scatter [tilespmem:s14], [sflag:$0x5], $0x2000, $0x38;
	[tilespmem:$0x14400] =	vst v63  }
0x62: {  	_ =	swait.ge @!p0 [sflag:s10], $0x2000  }
0x63: {  	s9 =	sshra.s32 s0, $0x2;
	[sflag:s10] =	ssyncset.done @!p0 $0x0  }
0x64: {  	s15 =	sadd.s32 $0x6380, s9;
	[sflag:s10] =	ssyncadd.s32 @!p0 $0xFFFFE000  }
0x65: {  	[tilespmem:s20], [sflag:$0x4] =	stream.indirect.gather [hbm4b:s3+s13], $0x40, s15, s13, $0xb8;
	[tilespmem:$0x14400] =	vst v63  }
0x66: {  	_ =	swait.ge [sflag:s21], $0x2000  }
0x67: {  	[sflag:s21] =	ssyncset.done $0x0  }
0x68: {  	s17 =	sadd.s32 $0xFFFFF800, s31;
	[sflag:s21] =	ssyncadd.s32 $0xFFFFE000  }
0x69: {  	[hbm4b:s17+s2] =	stream.linear.scatter [tilespmem:s16], [sflag:$0x6], $0x2000, $0x38;
	[tilespmem:$0x14400] =	vst v63  }
0x6a: {  	p0 =	seq.s32 s0, $0x18000;
	_ =	swait.ge [sflag:s22], $0x2000  }
0x6b: {  	s10 =	sshra.s32 @!p0 s0, $0x2;
	s4 =	simm.s32 @!p0 $0xC400;
	[sflag:s22] =	ssyncset.done $0x0  }
0x6c: {  	s15 =	sadd.s32 @!p0 $0x6400, s10;
	s17 =	simm.s32 @!p0 $0x80;
	[sflag:s22] =	ssyncadd.s32 $0xFFFFE000  }
0x6d: {  	[tilespmem:s4], [sflag:$0x1] =	stream.indirect.gather @!p0 [hbm4b:s3+s17], $0x40, s15, s17, $0xb8;
	[tilespmem:$0x14400] =	vst v63  }
0x6e: {  	_ =	swait.ge [sflag:s23], $0x2000  }
0x6f: {  	[sflag:s23] =	ssyncset.done $0x0  }
0x70: {  	[sflag:s23] =	ssyncadd.s32 $0xFFFFE000  }
0x71: {  	[hbm4b:s6+s2] =	stream.linear.scatter [tilespmem:s18], [sflag:$0x7], $0x2000, $0x38;
	[tilespmem:$0x14400] =	vst v63  }
0x72: {  	_ =	swait.ge [sflag:s24], $0x2000  }
0x73: {  	[sflag:s24] =	ssyncset.done $0x0  }
0x74: {  	s4 =	sadd.s32 @!p0 $0x6480, s10;
	s10 =	simm.s32 @!p0 $0xE400;
	[sflag:s24] =	ssyncadd.s32 $0xFFFFE000  }
0x75: {  	[tilespmem:s10], [sflag:$0x2] =	stream.indirect.gather @!p0 [hbm4b:s3+s17], $0x40, s4, s17, $0xb8;
	[tilespmem:$0x14400] =	vst v63  }
0x76: {  	_ =	swait.ge [sflag:s25], $0x2000  }
0x77: {  	[sflag:s25] =	ssyncset.done $0x0  }
.Ltmp3:
0x78: {  	[sflag:s25] =	ssyncadd.s32 $0xFFFFE000;
	(pc) =	sbr.rel @p0 .LBB2_6-.Ltmp3, $4  }
0x79: {  	[hbm4b:s31+s2] =	stream.linear.scatter [tilespmem:s20], [sflag:$0x8], $0x2000, $0x38;
	[tilespmem:$0x14400] =	vst v63  }
0x7a: {  	_ =	swait.ge [sflag:s26], $0x2000  }
0x7b: {  	[sflag:s26] =	ssyncset.done $0x0  }
0x7c: {  	[sflag:s26] =	ssyncadd.s32 $0xFFFFE000  }
.Ltmp4:
0x7d: {  	(pc) =	sbr.rel .LBB2_4-.Ltmp4, $4  }
0x7e: {  	_ = 	snop  }
0x7f: {  	s4 =	sadd.s32 $0x6500, s9;
	s0 =	sadd.s32 $0x800, s0  }
0x80: {  	s6 =	sadd.s32 $0x1000, s6;
	s31 =	sadd.s32 $0x1000, s31;
	s30 =	sadd.s32 $0x1000, s30  }
0x81: {  	[tilespmem:s18], [sflag:$0x3] =	stream.indirect.gather [hbm4b:s3+s13], $0x40, s4, s13, $0xb8;
	[tilespmem:$0x14400] =	vst v63  }
.LBB2_7:
0x82: {  	_ =	sfence.sel $0x180000  }
0x83: {  	[bflag:$0x0] =	sbarrier.arrive $0xFFFF  }
0x84: {  	_ =	strace $0x90000047  }
0x85: {  	s0 =	stileid.u32;
	[bflag:$0x2] =	sbarrier.arrive $0xFFFF  }
0x86: {  	p0 =	sne.s32 s0, $0x0;
	s0 =	rddreg [dreg:$0x2]  }
0x87: {  	s0 =	sadd.s32 @!p0 $0x100000, s0  }
0x88: {  	[sflag:s0] =	ssyncadd.tile.s32 @!p0 $0x1;
	_ =	shalt  }
.Lfunc_end2:
_tile_overlayer_lowered:
.L_overlay_start_2:
0x89: {  	(tag) =	ssettag $0x2  }
0x8a: {  	s0 =	rddreg [dreg:$0x0];
	s2 =	stileid.u32  }
0x8b: {  	s1 =	rddreg [dreg:$0x1];
	p0 =	sne.s32 s2, $0x0  }
0x8c: {  	s3 =	rddreg [dreg:$0x2];
	[bflag:$0x3] =	sbarrier.arrive $0xFFFF;
	s2 =	simm.s32 @!p0 $0x1C09  }
0x8d: {  	[timem:s3], [sflag:s2] =	dma.local @!p0 [hbm:s0], s1  }
0x8e: {  	s0 =	simm.s32 @!p0 $0x9  }
0x8f: {  	_ =	swait.ge @!p0 [sflag:s0], s1  }
0x90: {  	s1 =	ssub.s32 @!p0 $0x0, s1;
	[sflag:s0] =	ssyncset.done @!p0 $0x0  }
0x91: {  	[sflag:s0] =	ssyncadd.s32 @!p0 s1  }
0x92: {  	[bflag:$0x3] =	sbarrier.arrive $0xFFFF  }
0x93: {  	_ =	shalt  }

// kernel: kernel.9.cloned.1.call-start
scs
__scs_entry_jumppad:
0x0: {  	(pc) =	sbr.rel $0x88, $3  }
0x1: {  	(tag) =	ssettag $0x0;
	lr =	simm.s32 $0x1  }
0x2: {  	[smem:$0x3F97] =	sst lr;
	_ =	strace $0xD0000000  }
0x3: {  	_ = 	snop  }
0x4: {  	_ = 	snop  }
0x5: {  	_ = 	snop  }
0x6: {  	_ = 	snop  }
0x7: {  	_ = 	snop  }
__scs_overlays_trampoline_lowered:
0x8: {  	[smem:$0x3FA6] =	sst s0  }
0x9: {  	[smem:$0x3FA7] =	sst s1  }
0xa: {  	[smem:$0x3FA8] =	sst s2  }
0xb: {  	[smem:$0x3FA9] =	sst s3  }
0xc: {  	[smem:$0x3FAA] =	sst s4  }
0xd: {  	[smem:$0x3FAB] =	sst s5  }
0xe: {  	[smem:$0x3FAC] =	sst s6  }
0xf: {  	[smem:$0x3FAD] =	sst s7  }
0x10: {  	[smem:$0x3FAE] =	sst s8  }
0x11: {  	[smem:$0x3FAF] =	sst s9;
	s0 =	simm.s32 @!p0 $0x0  }
0x12: {  	s1 =	sld [smem:$0x3F95];
	s0 =	simm.s32 @p0 $0x1  }
0x13: {  	[smem:$0x3FB0] =	sst s0;
	s0 =	simm.s32 @!p1 $0x0  }
0x14: {  	s2 =	sld [smem:$0x3F94];
	s0 =	simm.s32 @p1 $0x1  }
0x15: {  	[smem:$0x3FB1] =	sst s0;
	s0 =	simm.s32 @!p2 $0x0  }
0x16: {  	s3 =	sld [smem:$0x3FDB];
	s0 =	simm.s32 @p2 $0x1  }
0x17: {  	s4 =	simm.s32 $0x1BF5;
	[smem:$0x3FB3] =	sst s0  }
0x18: {  	s0 =	sld [smem:$0x3F96];
	_ =	swait.ge [sflag:s4], $0x0  }
0x19: {  	s7 =	sld [smem:$0x3F97]  }
0x1a: {  	s8 =	sadd.s32 $0xFFFFE003, lr  }
0x1b: {  	s9 =	sadd.s32 $0xFFFFFEF7, lr;
	s5 =	simm.s32 $0xFFFFFFFF;
	p2 =	slt.u32 s8, $0xFFFFF086  }
0x1c: {  	p1 =	slt.u32 s9, $0xF7A;
	s5 =	simm.s32 @!p2 $0x0  }
0x1d: {  	s5 =	simm.s32 @p1 $0x1;
	p0 =	seq.s32 s7, s2  }
0x1e: {  	s7 =	smul.u32 @!p0 $0xF7A, s2;
	p2 =	seq.s32 @!p0 s5, $0x0  }
0x1f: {  	s9 =	smul.u32 $0xF7A, s1;
	s8 =	simm.s32 @!p0 $0x1BF5;
	p2 =	por !p2, p0  }
0x20: {  	[sflag:s8] =	ssyncset.s32 @!p0 $0xFFFFF086;
	s6 =	sadd.s32 @!p0 s3, s7;
	s7 =	simm.s32 @!p0 $0x108  }
0x21: {  	s3 =	sadd.s32 s3, s9;
	s6 =	sadd.s32 @!p0 $0x88, s6;
	s7 =	simm.s32 @p2 $0x1082  }
0x22: {  	[simem:s7], [sflag:s8] =	dma.local @!p0 [hbm:s6], $0xF7A  }
0x23: {  	s9 =	sor.u32 $0xD0000000, s2;
	s6 =	simm.s32 $0x108;
	_ =	swait.ge @!p0 [sflag:s8], $0x0  }
0x24: {  	s3 =	sadd.s32 $0x88, s3;
	s6 =	simm.s32 @!p1 $0x1082;
	[sflag:s4] =	ssyncset.s32 $0xFFFFF086  }
0x25: {  	[simem:s6], [sflag:s4] =	dma.local [hbm:s3], $0xF7A  }
0x26: {  	[smem:$0x3F97] =	sst s1;
	(tag) =	ssettag s2;
	_ =	strace s9  }
0x27: {  	s1 =	sld [smem:$0x3FA7]  }
0x28: {  	s2 =	sld [smem:$0x3FA8]  }
0x29: {  	s4 =	sld [smem:$0x3FAA]  }
0x2a: {  	p0 =	seq.s32 s5, $0x0;
	s5 =	sld [smem:$0x3FAB]  }
0x2b: {  	s6 =	sld [smem:$0x3FAC]  }
0x2c: {  	s7 =	sld [smem:$0x3FAD]  }
0x2d: {  	s3 =	simm.s32 $0x108;
	s8 =	sld [smem:$0x3FAE]  }
0x2e: {  	s3 =	simm.s32 @!p0 $0x1082;
	s9 =	sld [smem:$0x3FAF]  }
0x2f: {  	lr =	sadd.s32 s0, s3;
	s0 =	sld [smem:$0x3FA6]  }
0x30: {  	s3 =	sld [smem:$0x3FA9]  }
0x31: {  	[smem:$0x3FB2] =	sst s10  }
0x32: {  	s10 =	sld [smem:$0x3FB0];
	_ =	sdelay $0x3  }
0x33: {  	p0 =	seq.s32 s10, $0x1;
	s10 =	sld [smem:$0x3FB2];
	_ =	sdelay $0x3  }
0x34: {  	[smem:$0x3FB2] =	sst s10  }
0x35: {  	s10 =	sld [smem:$0x3FB1];
	_ =	sdelay $0x3  }
0x36: {  	p1 =	seq.s32 s10, $0x1;
	s10 =	sld [smem:$0x3FB2];
	_ =	sdelay $0x3  }
0x37: {  	[smem:$0x3FB2] =	sst s10  }
0x38: {  	s10 =	sld [smem:$0x3FB3]  }
0x39: {  	_ = 	snop;
	(pc) =	sbr.ind lr, $3  }
0x3a: {  	_ = 	snop  }
0x3b: {  	_ = 	snop  }
0x3c: {  	p2 =	seq.s32 s10, $0x1;
	s10 =	sld [smem:$0x3FB2]  }
0x3d: {  	_ =	shalt  }
0x3e: {  	_ =	shalt  }
0x3f: {  	_ =	shalt  }
0x40: {  	_ =	shalt  }
0x41: {  	_ =	shalt  }
0x42: {  	_ =	shalt  }
0x43: {  	_ =	shalt  }
0x44: {  	_ =	shalt  }
0x45: {  	_ =	shalt  }
0x46: {  	_ =	shalt  }
0x47: {  	_ =	shalt  }
0x48: {  	_ =	shalt  }
0x49: {  	_ =	shalt  }
0x4a: {  	_ =	shalt  }
0x4b: {  	_ =	shalt  }
0x4c: {  	_ =	shalt  }
0x4d: {  	_ =	shalt  }
0x4e: {  	_ =	shalt  }
0x4f: {  	_ =	shalt  }
0x50: {  	_ =	shalt  }
0x51: {  	_ =	shalt  }
0x52: {  	_ =	shalt  }
0x53: {  	_ =	shalt  }
0x54: {  	_ =	shalt  }
0x55: {  	_ =	shalt  }
0x56: {  	_ =	shalt  }
0x57: {  	_ =	shalt  }
0x58: {  	_ =	shalt  }
0x59: {  	_ =	shalt  }
0x5a: {  	_ =	shalt  }
0x5b: {  	_ =	shalt  }
0x5c: {  	_ =	shalt  }
0x5d: {  	_ =	shalt  }
0x5e: {  	_ =	shalt  }
0x5f: {  	_ =	shalt  }
0x60: {  	_ =	shalt  }
0x61: {  	_ =	shalt  }
0x62: {  	_ =	shalt  }
0x63: {  	_ =	shalt  }
0x64: {  	_ =	shalt  }
0x65: {  	_ =	shalt  }
0x66: {  	_ =	shalt  }
0x67: {  	_ =	shalt  }
0x68: {  	_ =	shalt  }
0x69: {  	_ =	shalt  }
0x6a: {  	_ =	shalt  }
0x6b: {  	_ =	shalt  }
0x6c: {  	_ =	shalt  }
0x6d: {  	_ =	shalt  }
0x6e: {  	_ =	shalt  }
0x6f: {  	_ =	shalt  }
0x70: {  	_ =	shalt  }
0x71: {  	_ =	shalt  }
0x72: {  	_ =	shalt  }
0x73: {  	_ =	shalt  }
0x74: {  	_ =	shalt  }
0x75: {  	_ =	shalt  }
0x76: {  	_ =	shalt  }
0x77: {  	_ =	shalt  }
0x78: {  	_ =	shalt  }
0x79: {  	_ =	shalt  }
0x7a: {  	_ =	shalt  }
0x7b: {  	_ =	shalt  }
0x7c: {  	_ =	shalt  }
0x7d: {  	_ =	shalt  }
0x7e: {  	_ =	shalt  }
0x7f: {  	_ =	shalt  }
0x80: {  	_ =	shalt  }
0x81: {  	_ =	shalt  }
0x82: {  	_ =	shalt  }
0x83: {  	_ =	shalt  }
0x84: {  	_ =	shalt  }
0x85: {  	_ =	shalt  }
0x86: {  	_ =	shalt  }
0x87: {  	_ =	shalt  }
.Lfunc_end0:
.L_simem_size_0:
called_computation.1_lowered:
.L_overlay_start_0:
0x88: {  	s2 =	sld [smem:$0x3FD9]  }
0x89: {  	s3 =	sld [smem:$0x3FFE];
	_ =	sdelay $0x1  }
0x8a: {  	s1 =	srdreg.scid  }
0x8b: {  	s0 =	sand.u32 $0x1, s1  }
0x8c: {  	s17 =	sshll.u32 s0, $0xA;
	s2 =	sadd.s32 s3, s2  }
0x8d: {  	s2 =	sadd.s32 s2, s17  }
0x8e: {  	[smem:$0x3FBE] =	sst s2  }
0x8f: {  	_ = 	snop  }
0x90: {  	(tm) =	ssettm $0x1  }
0x91: {  	s18 =	sld [smem:$0x3FFB];
	_ =	sdelay $0x3  }
0x92: {  	_ =	strace s18  }
0x93: {  	s2 =	sld [smem:$0x3FFC];
	_ =	sdelay $0x3  }
0x94: {  	_ =	strace s2  }
0x95: {  	s2 =	sld [smem:$0x3FFD];
	_ =	sdelay $0x3  }
0x96: {  	_ =	strace s2  }
0x97: {  	_ =	strace $0x8FFFFFFF  }
0x98: {  	s19 =	sld [smem:$0x3FDB];
	_ =	sdelay $0x1  }
0x99: {  	s20 =	simm.s32 $_scs_section_size  }
0x9a: {  	s4 =	simm.s32 $_size__tile_overlayer_lowered;
	s5 =	simm.s32 $_tile_overlayer_lowered  }
0x9b: {  	s6 =	simm.s32 $0x1BFF;
	s21 =	sshll.u32 s5, $0x1;
	s3 =	sadd.s32 s20, s19  }
0x9c: {  	s22 =	simm.s32 $0x0;
	s4 =	sshll.u32 s4, $0x1;
	s5 =	sadd.s32 s21, s3  }
0x9d: {  	[timem:s22], [sflag:s6] =	dma.local [hbm:s5], s4  }
0x9e: {  	_ =	swait.ge [sflag:s6], s4  }
0x9f: {  	s4 =	ssub.s32 $0x0, s4;
	[sflag:s6] =	ssyncset.done $0x0  }
0xa0: {  	[sflag:s6] =	ssyncadd.s32 s4;
	_ =	sdelay $0x1  }
0xa1: {  	s23 =	simm.s32 $0x1B8B  }
0xa2: {  	_ =	swait.ge [sflag:s23], $0x1  }
0xa3: {  	[sflag:s23] =	ssyncset.done $0x0  }
0xa4: {  	[sflag:s23] =	ssyncadd.s32 $0xFFFFFFFF  }
0xa5: {  	s4 =	sld [smem:$0x0]  }
0xa6: {  	s5 =	sand.u32 $0xFFFFFFFE, s1  }
0xa7: {  	p0 =	sne.s32 s1, s5  }
0xa8: {  	s5 =	sshll.u32 @p0 s5, $0xE  }
0xa9: {  	s5 =	sadd.s32 @p0 $0x11B8D, s5;
	s6 =	sshll.u32 @p0 s4, $0x11  }
0xaa: {  	s5 =	sor.u32 @p0 s6, s5  }
0xab: {  	[sflag:s5] =	ssyncadd.remote.s32 @p0 $0x1;
	_ =	sdelay $0x1  }
0xac: {  	s5 =	simm.s32 @p0 $0x1B8D  }
0xad: {  	_ =	swait.eq @p0 [sflag:s5], $0x1  }
0xae: {  	[sflag:s5] =	ssyncadd.s32 @p0 $0xFFFFFFFF  }
0xaf: {  	s6 =	sshll.u32 @!p0 s1, $0xE  }
0xb0: {  	s6 =	sor.u32 @!p0 $0x4000, s6;
	s5 =	simm.s32 @!p0 $0x1B8D  }
0xb1: {  	s4 =	sshll.u32 @!p0 s4, $0x11;
	s6 =	sadd.s32 @!p0 $0x11B8D, s6;
	_ =	swait.eq @!p0 [sflag:s5], $0x1  }
0xb2: {  	s4 =	sor.u32 @!p0 s4, s6;
	[sflag:s5] =	ssyncadd.s32 @!p0 $0xFFFFFFFF  }
0xb3: {  	s25 =	simm.s32 $0x1B8E;
	s24 =	sld [smem:$0x3FFE];
	[sflag:s4] =	ssyncadd.remote.s32 @!p0 $0x1  }
0xb4: {  	s26 =	simm.s32 $execute0_lowered;
	[smem:$0x3FD2] =	sst s25  }
0xb5: {  	s5 =	sshll.u32 s26, $0x1;
	_ =	strace $0x80000049;
	[dreg:$0x1] =	wrdreg $0xFFFFFFFF  }
0xb6: {  	s28 =	simm.s32 $_size_execute0_lowered;
	s3 =	sadd.s32 s3, s5;
	[dreg:$0x0] =	wrdreg $0x0  }
0xb7: {  	s5 =	sshll.u32 s28, $0x1;
	[dreg:$0x2] =	wrdreg s3  }
0xb8: {  	[dreg:$0x3] =	wrdreg s5  }
0xb9: {  	[dreg:$0x4] =	wrdreg $0xC0  }
0xba: {  	_ =	task [dreg:s22], $0x5FFFF  }
0xbb: {  	[dreg:$0x1] =	wrdreg $0xFFFFFFFF  }
0xbc: {  	[dreg:$0x0] =	wrdreg $0x60  }
0xbd: {  	[dreg:$0x2] =	wrdreg s24  }
0xbe: {  	[dreg:$0x3] =	wrdreg $0xA  }
0xbf: {  	_ =	task.clear_ibuf [dreg:s22], $0x4FFFF;
	_ =	strace $0x90000049  }
0xc0: {  	s29 =	simm.s32 $0xA;
	_ =	strace $0x8000004B  }
0xc1: {  	_ =	swait.ge [sflag:s29], $0x1  }
0xc2: {  	[sflag:s29] =	ssyncadd.s32 $0xFFFFFFFF  }
0xc3: {  	_ =	strace $0x9000004B  }
0xc4: {  	_ =	sfence  }
0xc5: {  	s30 =	sld [smem:$0x0];
	_ =	sdelay $0x2  }
0xc6: {  	s31 =	sshll.u32 s1, $0xD;
	s1 =	sshrl.u32 s1, $0x2  }
0xc7: {  	s4 =	sand.u32 $0x4000, s31;
	s1 =	sadd.s32 s1, s30  }
0xc8: {  	s0 =	sor.u32 s4, s0;
	s1 =	sshll.u32 s1, $0x11  }
0xc9: {  	s0 =	sor.u32 s1, s0  }
0xca: {  	s0 =	sadd.s32 $0x8F2B, s0  }
0xcb: {  	[sflag:s0] =	ssyncadd.remote.s32 $0x1  }
0xcc: {  	_ =	sfence.sel $0xFFFF  }
0xcd: {  	[dreg:$0x0] =	wrdreg $0xFFFFFFFF;
	(pc) =	sbr.abs _section_cstart, $3  }
0xce: {  	[dreg:$0x1] =	wrdreg $0xFFFFFFFF  }
0xcf: {  	_ =	task.clear_ibuf [dreg:s22], $0x2FFFF;
	_ =	strace $0x9FFFFFFF  }
0xd0: {  	(tm) =	ssettm $0x7FFFFFFF  }
0xd1: {  	_ =	shalt  }
tec
execute0_lowered:
.L_overlay_start_1:
0x0: {  	(tag) =	ssettag $0x1  }
0x1: {  	s0 =	srdreg.scid;
	s10 =	stileid.u32  }
0x2: {  	s4 =	rddreg [dreg:$0x0];
	s2 =	simm.s32 $0x0;
	s11 =	simm.s32 $0x9  }
0x3: {  	s12 =	simm.s32 $0x6200;
	s13 =	simm.s32 $0x80;
	s14 =	simm.s32 $0xC400  }
0x4: {  	s16 =	simm.s32 $0xE400;
	s18 =	simm.s32 $0x10400;
	s19 =	simm.s32 $0x1  }
0x5: {  	s20 =	simm.s32 $0x12400;
	s21 =	simm.s32 $0x2;
	s22 =	simm.s32 $0x5  }
0x6: {  	s23 =	simm.s32 $0x3;
	s24 =	simm.s32 $0x6;
	s28 =	simm.s32 $0x8  }
0x7: {  	s29 =	simm.s32 $0x0;
	s0 =	sand.u32 $0x1, s0;
	s5 =	smul.u32 $0x188, s10  }
0x8: {  	s1 =	sshll.u32 s10, $0x1;
	[smem:$0x7FF] =	sst s2;
	s26 =	smul.u32 $0x62000, s10  }
0x9: {  	s3 =	sadd.s32 $0x1C00, s4;
	s9 =	sadd.s32 $0x69C000, s4;
	s7 =	smul.u32 $0xC4, s0  }
0xa: {  	s1 =	sor.u32 s0, s1;
	s6 =	ssub.s32 $0x2, s0;
	s30 =	smul.u32 $0x31000, s0  }
0xb: {  	v0 =	vlaneseq.u32;
	_ =	strace $0x8000004A;
	s1 =	smul.u32 $0x620, s1;
	s8 =	sshrl.u32 s6, $0x1  }
.Ltmp0:
0xc: {  	v1 =	vand.u32 $0x3, v0;
	s31 =	sadd.s32 s26, s9;
	s26 =	simm.s32 $0x7;
	(pc) =	sbr.rel .LBB2_1-.Ltmp0, $4  }
0xd: {  	v0 =	vmul.u32 $0x2, v0;
	v5 =	vmul.u32 $0x2, v1;
	s6 =	ssub.s32 s6, s8;
	s5 =	sadd.s32 s7, s5;
	s1 =	sadd.s32 s1, s4  }
0xe: {  	s8 =	sadd.s32 s30, s31;
	s25 =	sshll.u32 s5, $0xA;
	s1 =	sadd.s32 $0x683800, s1  }
0xf: {  	v2 =	vor.u32 $0x1, v0;
	v1 =	vor.u32 $0xFFFFFF98, v5;
	s5 =	smax.u32 s6, $0x1;
	[dreg:$0x2] =	wrdreg s1;
	s1 =	sadd.s32 s25, s9  }
0x10: {  	v3 =	vor.u32 $0xFFFFFFB8, v5;
	v4 =	vor.u32 $0xFFFFFFD8, v5;
	v5 =	vor.u32 $0xFFFFFFF8, v5;
	s25 =	simm.s32 $0x4;
	s0 =	sadd.s32 $0x800, s1;
	s7 =	sadd.s32 $0xC00, s1  }
.LBB2_6:
0x11: {  	s29 =	sadd.s32 $0x1, s29  }
0x12: {  	p0 =	sne.s32 s29, s5  }
.Ltmp1:
0x13: {  	_ = 	snop;
	(pc) =	sbr.rel @!p0 .LBB2_7-.Ltmp1, $4  }
0x14: {  	_ = 	snop  }
0x15: {  	_ =	swait.ge [sflag:s28], $0x2000  }
0x16: {  	[sflag:s28] =	ssyncset.done $0x0  }
0x17: {  	[sflag:s28] =	ssyncadd.s32 $0xFFFFE000  }
.LBB2_1:
0x18: {  	s1 =	rddreg [dreg:$0x2];
	s4 =	simm.s32 $0x3100;
	s6 =	simm.s32 $0x62000  }
0x19: {  	[tilespmem:s2], [sflag:$0x9] =	stream.strided.gather [hbm4b:s1+s4], $0x6200, s6, s4, $0x38;
	[tilespmem:$0x14400] =	vst v63  }
0x1a: {  	_ =	swait.ge [sflag:s11], $0x6200  }
0x1b: {  	s9 =	simm.s32 $0x0;
	[sflag:s11] =	ssyncset.done $0x0  }
0x1c: {  	s30 =	simm.s32 $0x3130;
	v6 =	vor.u32 s9, v0;
	[sflag:s11] =	ssyncadd.s32 $0xFFFF9E00  }
0x1d: {  	v6 =	vand.u32 v1, v6;
	v7 =	vld [tilespmem:s30+$0xFFFFCED0];
	_ =	sdelay $0x4  }
0x1e: {  	[tilespmem:v6+s12+$0x0] =	vst.idx.msk $0xffff, v7  }
0x1f: {  	v7 =	vor.u32 s9, v2;
	v6 =	vld [tilespmem:s30+$0xFFFFFFD0];
	_ =	sdelay $0x3  }
0x20: {  	s10 =	simm.s32 $0x20  }
0x21: {  	[tilespmem:v7+s12+$0x0] =	vst.idx.msk $0xffff, v6;
	v6 =	vor.u32 s10, v0  }
0x22: {  	v7 =	vld [tilespmem:s30+$0xFFFFCEE0];
	v6 =	vand.u32 v3, v6;
	_ =	sdelay $0x4  }
0x23: {  	[tilespmem:v6+s12+$0x0] =	vst.idx.msk $0xffff, v7  }
0x24: {  	v7 =	vor.u32 s10, v2;
	v6 =	vld [tilespmem:s30+$0xFFFFFFE0];
	_ =	sdelay $0x3  }
0x25: {  	s15 =	simm.s32 $0x40  }
0x26: {  	[tilespmem:v7+s12+$0x0] =	vst.idx.msk $0xffff, v6;
	v6 =	vor.u32 s15, v0  }
0x27: {  	v7 =	vld [tilespmem:s30+$0xFFFFCEF0];
	v6 =	vand.u32 v4, v6;
	_ =	sdelay $0x4  }
0x28: {  	[tilespmem:v6+s12+$0x0] =	vst.idx.msk $0xffff, v7  }
0x29: {  	v7 =	vor.u32 s15, v2;
	v6 =	vld [tilespmem:s30+$0xFFFFFFF0];
	_ =	sdelay $0x3  }
0x2a: {  	s17 =	simm.s32 $0x60  }
0x2b: {  	[tilespmem:v7+s12+$0x0] =	vst.idx.msk $0xffff, v6;
	v6 =	vor.u32 s17, v0  }
0x2c: {  	v7 =	vld [tilespmem:s30+$0xFFFFCF00];
	v6 =	vand.u32 v5, v6;
	_ =	sdelay $0x4  }
0x2d: {  	[tilespmem:v6+s12+$0x0] =	vst.idx.msk $0xffff, v7  }
0x2e: {  	v7 =	vor.u32 s17, v2;
	v6 =	vld [tilespmem:s30+$0x0];
	_ =	sdelay $0x3  }
0x2f: {  	s31 =	simm.s32 $0xE0;
	s6 =	simm.s32 $0x80;
	s1 =	simm.s32 $0x160  }
.LBB2_2:
0x30: {  	p0 =	sne.s32 s1, $0x61E0;
	v8 =	vor.u32 s6, v0;
	[tilespmem:v7+s12+$0x0] =	vst.idx.msk $0xffff, v6;
	s30 =	sadd.s32 $0x40, s30  }
0x31: {  	v6 =	vld [tilespmem:s30+$0xFFFFCED0];
	v7 =	vand.u32 v1, v8;
	_ =	sdelay $0x4  }
0x32: {  	[tilespmem:v7+s12+$0x0] =	vst.idx.msk $0xffff, v6  }
0x33: {  	v7 =	vor.u32 s6, v2;
	v6 =	vld [tilespmem:s30+$0xFFFFFFD0];
	_ =	sdelay $0x3  }
0x34: {  	s6 =	sadd.s32 $0xFFFFFFC0, s31  }
0x35: {  	[tilespmem:v7+s12+$0x0] =	vst.idx.msk $0xffff, v6;
	v6 =	vor.u32 s6, v0  }
0x36: {  	v7 =	vld [tilespmem:s30+$0xFFFFCEE0];
	v6 =	vand.u32 v3, v6;
	_ =	sdelay $0x4  }
0x37: {  	[tilespmem:v6+s12+$0x0] =	vst.idx.msk $0xffff, v7  }
0x38: {  	v7 =	vor.u32 s6, v2;
	v6 =	vld [tilespmem:s30+$0xFFFFFFE0];
	_ =	sdelay $0x3  }
0x39: {  	s6 =	sadd.s32 $0xFFFFFFE0, s31  }
0x3a: {  	[tilespmem:v7+s12+$0x0] =	vst.idx.msk $0xffff, v6;
	v6 =	vor.u32 s6, v0  }
0x3b: {  	v7 =	vld [tilespmem:s30+$0xFFFFCEF0];
	v6 =	vand.u32 v4, v6;
	_ =	sdelay $0x4  }
0x3c: {  	[tilespmem:v6+s12+$0x0] =	vst.idx.msk $0xffff, v7  }
0x3d: {  	v7 =	vor.u32 s6, v2;
	v6 =	vld [tilespmem:s30+$0xFFFFFFF0];
	_ =	sdelay $0x4  }
0x3e: {  	[tilespmem:v7+s12+$0x0] =	vst.idx.msk $0xffff, v6;
	v6 =	vor.u32 s31, v0  }
0x3f: {  	v7 =	vld [tilespmem:s30+$0xFFFFCF00];
	v6 =	vand.u32 v5, v6;
	_ =	sdelay $0x4  }
0x40: {  	[tilespmem:v6+s12+$0x0] =	vst.idx.msk $0xffff, v7  }
.Ltmp2:
0x41: {  	v7 =	vor.u32 s31, v2;
	s31 =	smov.u32 s1;
	v6 =	vld [tilespmem:s30+$0x0];
	(pc) =	sbr.rel @p0 .LBB2_2-.Ltmp2, $2  }
0x42: {  	_ =	sdelay $0x2  }
0x43: {  	s1 =	sadd.s32 $0x80, s1;
	s6 =	sadd.s32 $0xFFFFFFA0, s31  }
0x44: {  	_ =	sdelay $0x3  }
0x45: {  	v8 =	vor.u32 s6, v0;
	[tilespmem:v7+s12+$0x0] =	vst.idx.msk $0xffff, v6;
	s1 =	sadd.s32 $0x40, s30  }
0x46: {  	v6 =	vld [tilespmem:s1+$0xFFFFCED0];
	v7 =	vand.u32 v1, v8;
	_ =	sdelay $0x4  }
0x47: {  	[tilespmem:v7+s12+$0x0] =	vst.idx.msk $0xffff, v6  }
0x48: {  	v7 =	vor.u32 s6, v2;
	v6 =	vld [tilespmem:s1+$0xFFFFFFD0];
	_ =	sdelay $0x3  }
0x49: {  	s9 =	sadd.s32 $0xFFFFFFC0, s31  }
0x4a: {  	[tilespmem:v7+s12+$0x0] =	vst.idx.msk $0xffff, v6;
	v6 =	vor.u32 s9, v0  }
0x4b: {  	v7 =	vld [tilespmem:s1+$0xFFFFCEE0];
	v6 =	vand.u32 v3, v6;
	_ =	sdelay $0x4  }
0x4c: {  	[tilespmem:v6+s12+$0x0] =	vst.idx.msk $0xffff, v7  }
0x4d: {  	v7 =	vor.u32 s9, v2;
	v6 =	vld [tilespmem:s1+$0xFFFFFFE0];
	_ =	sdelay $0x3  }
0x4e: {  	s10 =	sadd.s32 $0xFFFFFFE0, s31  }
0x4f: {  	[tilespmem:v7+s12+$0x0] =	vst.idx.msk $0xffff, v6;
	v6 =	vor.u32 s10, v0  }
0x50: {  	v7 =	vld [tilespmem:s1+$0xFFFFCEF0];
	v6 =	vand.u32 v4, v6;
	_ =	sdelay $0x4  }
0x51: {  	[tilespmem:v6+s12+$0x0] =	vst.idx.msk $0xffff, v7  }
0x52: {  	v7 =	vor.u32 s10, v2;
	v6 =	vld [tilespmem:s1+$0xFFFFFFF0];
	_ =	sdelay $0x4  }
0x53: {  	[tilespmem:v7+s12+$0x0] =	vst.idx.msk $0xffff, v6;
	v6 =	vor.u32 s31, v0  }
0x54: {  	v7 =	vld [tilespmem:s1+$0xFFFFCF00];
	v6 =	vand.u32 v5, v6;
	_ =	sdelay $0x4  }
0x55: {  	[tilespmem:v6+s12+$0x0] =	vst.idx.msk $0xffff, v7  }
0x56: {  	v7 =	vor.u32 s31, v2;
	v6 =	vld [tilespmem:s1+$0x0];
	_ =	sdelay $0x4  }
0x57: {  	[tilespmem:v7+s12+$0x0] =	vst.idx.msk $0xffff, v6  }
0x58: {  	[tilespmem:s14], [sflag:$0x1] =	stream.indirect.gather [hbm4b:s3+s13], $0x40, s12, s13, $0xb8;
	[tilespmem:$0x14400] =	vst v63  }
0x59: {  	s15 =	simm.s32 $0x6280;
	s17 =	simm.s32 $0x6300;
	s30 =	smov.u32 s8  }
0x5a: {  	[tilespmem:s16], [sflag:$0x2] =	stream.indirect.gather [hbm4b:s3+s13], $0x40, s15, s13, $0xb8;
	[tilespmem:$0x14400] =	vst v63  }
0x5b: {  	s6 =	smov.u32 s0;
	s31 =	smov.u32 s7;
	s1 =	simm.s32 $0x0  }
0x5c: {  	[tilespmem:s18], [sflag:$0x3] =	stream.indirect.gather [hbm4b:s3+s13], $0x40, s17, s13, $0xb8;
	[tilespmem:$0x14400] =	vst v63  }
.LBB2_4:
0x5d: {  	_ =	swait.ge [sflag:s19], $0x2000  }
0x5e: {  	p0 =	seq.s32 s1, $0x0;
	[sflag:s19] =	ssyncset.done $0x0  }
0x5f: {  	s10 =	simm.s32 @!p0 $0x8;
	[sflag:s19] =	ssyncadd.s32 $0xFFFFE000  }
0x60: {  	[hbm4b:s30+s2] =	stream.linear.scatter [tilespmem:s14], [sflag:$0x5], $0x2000, $0x38;
	[tilespmem:$0x14400] =	vst v63  }
0x61: {  	_ =	swait.ge @!p0 [sflag:s10], $0x2000  }
0x62: {  	s9 =	sshra.s32 s1, $0x2;
	[sflag:s10] =	ssyncset.done @!p0 $0x0  }
0x63: {  	s15 =	sadd.s32 $0x6380, s9;
	[sflag:s10] =	ssyncadd.s32 @!p0 $0xFFFFE000  }
0x64: {  	[tilespmem:s20], [sflag:$0x4] =	stream.indirect.gather [hbm4b:s3+s13], $0x40, s15, s13, $0xb8;
	[tilespmem:$0x14400] =	vst v63  }
0x65: {  	_ =	swait.ge [sflag:s21], $0x2000  }
0x66: {  	[sflag:s21] =	ssyncset.done $0x0  }
0x67: {  	s17 =	sadd.s32 $0xFFFFF800, s31;
	[sflag:s21] =	ssyncadd.s32 $0xFFFFE000  }
0x68: {  	[hbm4b:s17+s2] =	stream.linear.scatter [tilespmem:s16], [sflag:$0x6], $0x2000, $0x38;
	[tilespmem:$0x14400] =	vst v63  }
0x69: {  	p0 =	seq.s32 s1, $0x18000;
	_ =	swait.ge [sflag:s22], $0x2000  }
0x6a: {  	s10 =	sshra.s32 @!p0 s1, $0x2;
	s4 =	simm.s32 @!p0 $0xC400;
	[sflag:s22] =	ssyncset.done $0x0  }
0x6b: {  	s15 =	sadd.s32 @!p0 $0x6400, s10;
	s17 =	simm.s32 @!p0 $0x80;
	[sflag:s22] =	ssyncadd.s32 $0xFFFFE000  }
0x6c: {  	[tilespmem:s4], [sflag:$0x1] =	stream.indirect.gather @!p0 [hbm4b:s3+s17], $0x40, s15, s17, $0xb8;
	[tilespmem:$0x14400] =	vst v63  }
0x6d: {  	_ =	swait.ge [sflag:s23], $0x2000  }
0x6e: {  	[sflag:s23] =	ssyncset.done $0x0  }
0x6f: {  	[sflag:s23] =	ssyncadd.s32 $0xFFFFE000  }
0x70: {  	[hbm4b:s6+s2] =	stream.linear.scatter [tilespmem:s18], [sflag:$0x7], $0x2000, $0x38;
	[tilespmem:$0x14400] =	vst v63  }
0x71: {  	_ =	swait.ge [sflag:s24], $0x2000  }
0x72: {  	[sflag:s24] =	ssyncset.done $0x0  }
0x73: {  	s4 =	sadd.s32 @!p0 $0x6480, s10;
	s10 =	simm.s32 @!p0 $0xE400;
	[sflag:s24] =	ssyncadd.s32 $0xFFFFE000  }
0x74: {  	[tilespmem:s10], [sflag:$0x2] =	stream.indirect.gather @!p0 [hbm4b:s3+s17], $0x40, s4, s17, $0xb8;
	[tilespmem:$0x14400] =	vst v63  }
0x75: {  	_ =	swait.ge [sflag:s25], $0x2000  }
0x76: {  	[sflag:s25] =	ssyncset.done $0x0  }
.Ltmp3:
0x77: {  	[sflag:s25] =	ssyncadd.s32 $0xFFFFE000;
	(pc) =	sbr.rel @p0 .LBB2_6-.Ltmp3, $4  }
0x78: {  	[hbm4b:s31+s2] =	stream.linear.scatter [tilespmem:s20], [sflag:$0x8], $0x2000, $0x38;
	[tilespmem:$0x14400] =	vst v63  }
0x79: {  	_ =	swait.ge [sflag:s26], $0x2000  }
0x7a: {  	[sflag:s26] =	ssyncset.done $0x0  }
0x7b: {  	[sflag:s26] =	ssyncadd.s32 $0xFFFFE000  }
.Ltmp4:
0x7c: {  	(pc) =	sbr.rel .LBB2_4-.Ltmp4, $4  }
0x7d: {  	_ = 	snop  }
0x7e: {  	s4 =	sadd.s32 $0x6500, s9;
	s1 =	sadd.s32 $0x800, s1  }
0x7f: {  	s6 =	sadd.s32 $0x1000, s6;
	s31 =	sadd.s32 $0x1000, s31;
	s30 =	sadd.s32 $0x1000, s30  }
0x80: {  	[tilespmem:s18], [sflag:$0x3] =	stream.indirect.gather [hbm4b:s3+s13], $0x40, s4, s13, $0xb8;
	[tilespmem:$0x14400] =	vst v63  }
.LBB2_7:
0x81: {  	_ =	sfence.sel $0x180000  }
0x82: {  	[bflag:$0x0] =	sbarrier.arrive $0xFFFF  }
0x83: {  	_ =	strace $0x9000004A  }
0x84: {  	s0 =	stileid.u32;
	[bflag:$0x2] =	sbarrier.arrive $0xFFFF  }
0x85: {  	p0 =	sne.s32 s0, $0x0;
	s0 =	rddreg [dreg:$0x1]  }
0x86: {  	s0 =	sadd.s32 @!p0 $0x100000, s0  }
0x87: {  	[sflag:s0] =	ssyncadd.tile.s32 @!p0 $0x1;
	_ =	shalt  }
.Lfunc_end2:
_tile_overlayer_lowered:
.L_overlay_start_2:
0x88: {  	(tag) =	ssettag $0x2  }
0x89: {  	s0 =	rddreg [dreg:$0x0];
	s2 =	stileid.u32  }
0x8a: {  	s1 =	rddreg [dreg:$0x1];
	p0 =	sne.s32 s2, $0x0  }
0x8b: {  	s3 =	rddreg [dreg:$0x2];
	[bflag:$0x3] =	sbarrier.arrive $0xFFFF;
	s2 =	simm.s32 @!p0 $0x1C09  }
0x8c: {  	[timem:s3], [sflag:s2] =	dma.local @!p0 [hbm:s0], s1  }
0x8d: {  	s0 =	simm.s32 @!p0 $0x9  }
0x8e: {  	_ =	swait.ge @!p0 [sflag:s0], s1  }
0x8f: {  	s1 =	ssub.s32 @!p0 $0x0, s1;
	[sflag:s0] =	ssyncset.done @!p0 $0x0  }
0x90: {  	[sflag:s0] =	ssyncadd.s32 @!p0 s1  }
0x91: {  	[bflag:$0x3] =	sbarrier.arrive $0xFFFF  }
0x92: {  	_ =	shalt  }

</sc_bundles>
